<compile_context>
chip_gen: v7x
topology: tpu7x:2x2x1
jax: 0.10.2.dev20260603
libtpu: 0.0.44.dev20260713+nightly
codegen_flags: <defaults>
</compile_context>

<pallas_src>
import functools

import jax
import jax.numpy as jnp
from jax import lax
from jax.experimental import pallas as pl
from jax.experimental.pallas import tpu as pltpu
from jax.experimental.pallas import tpu_sc as plsc

_DIM = 128
_KQ = 100000
_B = 4096

_NC = 2
_NS = 16
_NW = _NC * _NS
_L = 16
_RPW = _B // _NW
_GPW = _RPW // _L



_FLAG_BLK = 128


def _flags_body(rc, tc, ec, rr, tr, er, fo):
    ri = rc[...]
    ti = tc[...]
    ei = ec[...]
    rj = rr[...]
    tj = tr[...]
    ej = er[...]
    rank_ij = (ti < tj) | ((ti == tj) & (ej == 0.0))
    rowv = rank_ij & (ri < rj)
    rank_ji = (tj < ti) | ((tj == ti) & (ei == 0.0))
    colv = rank_ji & (rj < ri) & (ej != 0.0)
    anyrow = jnp.any(rowv, axis=1, keepdims=True)
    anycol = jnp.any(colv, axis=1, keepdims=True)
    hard = ((ei != 0.0) & anyrow) | anycol
    fo[...] = hard.astype(jnp.int32)


def _compute_flags(risk, t_new, e_new):
    col = lambda x: x.reshape(_B, 1)
    row = lambda x: x.reshape(1, _B)
    grid = _B // _FLAG_BLK
    blk_col = pl.BlockSpec((_FLAG_BLK, 1), lambda i: (i, 0))
    blk_row = pl.BlockSpec((1, _B), lambda i: (0, 0))
    flags = pl.pallas_call(
        _flags_body,
        grid=(grid,),
        in_specs=[blk_col, blk_col, blk_col, blk_row, blk_row, blk_row],
        out_specs=pl.BlockSpec((_FLAG_BLK, 1), lambda i: (i, 0)),
        out_shape=jax.ShapeDtypeStruct((_B, 1), jnp.int32),
    )(col(risk), col(t_new), col(e_new), row(risk), row(t_new), row(e_new))
    return flags.reshape(_B)



_ZBLK = 1000
_E2D = (625, 160)


def _copy_body(z_in, e_in, t_in, b_in, z_out, e_out, t_out, b_out):
    z_out[...] = z_in[...]

    @pl.when(pl.program_id(0) == 0)
    def _():
        e_out[...] = e_in[...]
        t_out[...] = t_in[...]
        b_out[...] = b_in[...]


def _copy_buffers(z, e, t, b):
    grid = _KQ // _ZBLK
    whole = pl.BlockSpec(_E2D, lambda i: (0, 0))
    zc, ec, tc, bc = pl.pallas_call(
        _copy_body,
        grid=(grid,),
        in_specs=[pl.BlockSpec((_ZBLK, _DIM), lambda i: (i, 0)),
                  whole, whole, whole],
        out_specs=[pl.BlockSpec((_ZBLK, _DIM), lambda i: (i, 0)),
                   whole, whole, whole],
        out_shape=[jax.ShapeDtypeStruct((_KQ, _DIM), jnp.float32),
                   jax.ShapeDtypeStruct(_E2D, jnp.float32),
                   jax.ShapeDtypeStruct(_E2D, jnp.float32),
                   jax.ShapeDtypeStruct(_E2D, jnp.int32)],
    )(z, e.reshape(_E2D), t.reshape(_E2D), b.reshape(_E2D))
    return zc, ec.reshape(_KQ), tc.reshape(_KQ), bc.reshape(_KQ)




def _sc_body(flags_h, znew_h, enew_h, tnew_h, bnew_h, p_h, s_h,
             zorig_h, eorig_h, torig_h, borig_h,
             zb, eb, tb, bb,
             ptro, sizo,
             flags_v, dst_v, ridx_v, rows_v, e_v, t_v, b_v,
             rz_v, re_v, rt_v, rb_v, pv_v, sv_v, out_v,
             sem_a, sem_b):
    c = lax.axis_index("c")
    s = lax.axis_index("s")
    wid = c * _NS + s
    base_row = wid * _RPW

    pltpu.sync_copy(flags_h, flags_v)
    pltpu.sync_copy(p_h, pv_v)
    pltpu.sync_copy(s_h, sv_v)
    pvec = pv_v[...]

    def _acc(g, a):
        return a + flags_v[pl.ds(g * _L, _L)]

    accv = lax.fori_loop(0, wid * _GPW, _acc, jnp.zeros((_L,), jnp.int32))
    base0 = jnp.sum(accv)

    lane = lax.iota(jnp.int32, _L)

    def _grp(g, cnt):
        f = flags_v[pl.ds((wid * _GPW + g) * _L, _L)]
        rank = (base0 + cnt + jnp.cumsum(f)) - f
        trash = (pvec + (_B + base_row + g * _L) + lane) % _KQ
        real = (pvec + rank) % _KQ
        dst_v[pl.ds(g * _L, _L)] = jnp.where(f > 0, real, trash)
        ridx_v[pl.ds(g * _L, _L)] = trash
        return cnt + jnp.sum(f)

    mycnt = lax.fori_loop(0, _GPW, _grp, 0)
    del mycnt

    pltpu.sync_copy(znew_h.at[pl.ds(base_row, _RPW)], rows_v)
    pltpu.sync_copy(enew_h.at[pl.ds(base_row, _RPW)], e_v)
    pltpu.sync_copy(tnew_h.at[pl.ds(base_row, _RPW)], t_v)
    pltpu.sync_copy(bnew_h.at[pl.ds(base_row, _RPW)], b_v)

    sz = pltpu.async_copy(rows_v, zb.at[dst_v], sem_a)
    se = pltpu.async_copy(e_v, eb.at[dst_v], sem_a)
    st = pltpu.async_copy(t_v, tb.at[dst_v], sem_a)
    sb = pltpu.async_copy(b_v, bb.at[dst_v], sem_a)
    gz = pltpu.async_copy(zorig_h.at[ridx_v], rz_v, sem_b)
    ge = pltpu.async_copy(eorig_h.at[ridx_v], re_v, sem_b)
    gt = pltpu.async_copy(torig_h.at[ridx_v], rt_v, sem_b)
    gb = pltpu.async_copy(borig_h.at[ridx_v], rb_v, sem_b)
    sz.wait(); se.wait(); st.wait(); sb.wait()
    gz.wait(); ge.wait(); gt.wait(); gb.wait()

    rz = pltpu.async_copy(rz_v, zb.at[ridx_v], sem_a)
    re = pltpu.async_copy(re_v, eb.at[ridx_v], sem_a)
    rt = pltpu.async_copy(rt_v, tb.at[ridx_v], sem_a)
    rb = pltpu.async_copy(rb_v, bb.at[ridx_v], sem_a)
    rz.wait(); re.wait(); rt.wait(); rb.wait()

    @pl.when(wid == 0)
    def _():
        def _tot(g, a):
            return a + flags_v[pl.ds(g * _L, _L)]

        totv = lax.fori_loop(0, _B // _L, _tot, jnp.zeros((_L,), jnp.int32))
        bh = jnp.sum(totv)
        p0 = jnp.max(pvec)
        s0 = jnp.max(sv_v[...])
        out_v[...] = jnp.broadcast_to((p0 + bh) % _KQ, (_L,)).astype(jnp.int32)
        pltpu.sync_copy(out_v.at[pl.ds(0, 1)], ptro)
        out_v[...] = jnp.broadcast_to(jnp.minimum(s0 + bh, _KQ), (_L,)).astype(jnp.int32)
        pltpu.sync_copy(out_v.at[pl.ds(0, 1)], sizo)


def _sc_scatter(flags, z_new, e_new, t_new, b_new, pvec, svec,
                z, e, t, b, z_r, e_r, t_r, b_r):
    mesh = plsc.VectorSubcoreMesh(core_axis_name="c", subcore_axis_name="s",
                                  num_cores=_NC, num_subcores=_NS)
    kern = pl.kernel(
        _sc_body,
        out_type=(jax.ShapeDtypeStruct((1,), jnp.int32),
                  jax.ShapeDtypeStruct((1,), jnp.int32)),
        mesh=mesh,
        compiler_params=pltpu.CompilerParams(needs_layout_passes=False),
        scratch_types=(
            pltpu.VMEM((_B,), jnp.int32),
            pltpu.VMEM((_RPW,), jnp.int32),
            pltpu.VMEM((_RPW,), jnp.int32),
            pltpu.VMEM((_RPW, _DIM), jnp.float32),
            pltpu.VMEM((_RPW,), jnp.float32),
            pltpu.VMEM((_RPW,), jnp.float32),
            pltpu.VMEM((_RPW,), jnp.int32),
            pltpu.VMEM((_RPW, _DIM), jnp.float32),
            pltpu.VMEM((_RPW,), jnp.float32),
            pltpu.VMEM((_RPW,), jnp.float32),
            pltpu.VMEM((_RPW,), jnp.int32),
            pltpu.VMEM((_L,), jnp.int32),
            pltpu.VMEM((_L,), jnp.int32),
            pltpu.VMEM((_L,), jnp.int32),
            pltpu.SemaphoreType.DMA,
            pltpu.SemaphoreType.DMA,
        ),
    )
    return kern(flags, z_new, e_new, t_new, b_new, pvec, svec,
                z, e, t, b, z_r, e_r, t_r, b_r)




def kernel(risk, z_new, e_new, t_new, b_new, z, e, t, b, ptr, size):
    flags = _compute_flags(risk, t_new, e_new)
    zc, ec, tc, bc = _copy_buffers(z, e, t, b)
    z_r = jax.new_ref(zc)
    e_r = jax.new_ref(ec)
    t_r = jax.new_ref(tc)
    b_r = jax.new_ref(bc)
    pvec = jnp.broadcast_to(ptr.astype(jnp.int32), (_L,))
    svec = jnp.broadcast_to(size.astype(jnp.int32), (_L,))
    ptr_o, size_o = _sc_scatter(flags, z_new, e_new, t_new, b_new,
                                pvec, svec, z, e, t, b,
                                z_r, e_r, t_r, b_r)
    return (z_r[...], e_r[...], t_r[...], b_r[...], ptr_o, size_o)

# --- scband reference (transcript-rebuilt; emitter-appended) ---
"""Pipeline reference for scband-survival-queue-80522046865572 (READ-ONLY COPY).

The authoritative reference and input builder live on the scoring server;
editing this copy changes nothing except your own understanding.
"""

import jax, jax.numpy as jnp
import numpy as np

DIM = 128
KQ = 100000
B = 4096

def pair_rank_mat(durations, events):
    dur_i = durations.reshape(-1, 1)
    dur_j = durations.reshape(1, -1)
    ev_i = events.reshape(-1, 1)
    ev_j = events.reshape(1, -1)
    # note: & binds tighter than | (same precedence as torch code)
    return ((dur_i < dur_j) | ((dur_i == dur_j) & (ev_j == 0))).astype(jnp.float32) * ev_i

def setup_inputs(seed: int = 0) -> dict:
    key = jax.random.key(seed)
    k1, k2, k3, k4, k5 = jax.random.split(key, 5)
    risk = jax.random.normal(k1, (B,), dtype=jnp.float32)
    z_new = jax.random.normal(k2, (B, DIM), dtype=jnp.float32)
    e_new = jax.random.randint(k3, (B,), 0, 2).astype(jnp.float32)
    t_new = jax.random.randint(k4, (B,), 0, 100).astype(jnp.float32)
    b_new = jax.random.randint(k5, (B,), 0, 100).astype(jnp.int32)
    # registered buffers of the module (queue state)
    z = jnp.zeros((KQ, DIM), dtype=jnp.float32)
    e = jnp.zeros((KQ,), dtype=jnp.float32)
    t = jnp.zeros((KQ,), dtype=jnp.float32)
    b = jnp.zeros((KQ,), dtype=jnp.int32)
    ptr = jnp.zeros((1,), dtype=jnp.int32)
    size = jnp.zeros((1,), dtype=jnp.int32)
    return {"risk": risk, "z_new": z_new, "e_new": e_new, "t_new": t_new, "b_new": b_new, "z": z, "e": e, "t": t, "b": b, "ptr": ptr, "size": size}

def reference(risk, z_new, e_new, t_new, b_new, z, e, t, b, ptr, size):
    # find_hard_samples
    rank_mat = pair_rank_mat(t_new, e_new)
    risk_i = risk.reshape(-1, 1)
    risk_j = risk.reshape(1, -1)
    risk_mat = (risk_i < risk_j).astype(jnp.float32)
    viol_mat = rank_mat * risk_mat
    hard_mask = (viol_mat.sum(axis=1) + viol_mat.sum(axis=0)) > 0
    hard_i = hard_mask.astype(jnp.int32)
    Bh = hard_i.sum()
    p = ptr[0]
    # circular-buffer placement: equivalent to the torch wraparound place()
    rank = jnp.cumsum(hard_i) - 1
    positions = jnp.where(hard_mask, (p + rank) % KQ, KQ)
    z = z.at[positions].set(z_new, mode="drop")
    e = e.at[positions].set(e_new, mode="drop")
    t = t.at[positions].set(t_new, mode="drop")
    b = b.at[positions].set(b_new, mode="drop")
    ptr = ptr.at[0].set((p + Bh) % KQ)
    size = size.at[0].set(jnp.minimum(size[0] + Bh, KQ))
    return (z, e, t, b, ptr, size)

if __name__ == "__main__":
    import jax
    _d = setup_inputs()
    print(jax.jit(kernel)(*tuple(_d.values())))

</pallas_src>

<mosaic_0001>
#map = affine_map<(d0, d1) -> (0)>
#map1 = affine_map<(d0, d1) -> (0, 0)>
module attributes {stable_mosaic.version = 14 : i64} {
  func.func @new_body(%arg0: i32, %arg1: i32, %arg2: memref<4096xi32, #tpu.memory_space<hbm>>, %arg3: memref<4096x128xf32, #tpu.memory_space<hbm>>, %arg4: memref<4096xf32, #tpu.memory_space<hbm>>, %arg5: memref<4096xf32, #tpu.memory_space<hbm>>, %arg6: memref<4096xi32, #tpu.memory_space<hbm>>, %arg7: memref<16xi32, #tpu.memory_space<hbm>>, %arg8: memref<16xi32, #tpu.memory_space<hbm>>, %arg9: memref<100000x128xf32, #tpu.memory_space<hbm>>, %arg10: memref<100000xf32, #tpu.memory_space<hbm>>, %arg11: memref<100000xf32, #tpu.memory_space<hbm>>, %arg12: memref<100000xi32, #tpu.memory_space<hbm>>, %arg13: memref<100000x128xf32, #tpu.memory_space<hbm>>, %arg14: memref<100000xf32, #tpu.memory_space<hbm>>, %arg15: memref<100000xf32, #tpu.memory_space<hbm>>, %arg16: memref<100000xi32, #tpu.memory_space<hbm>>, %arg17: memref<1xi32, #tpu.memory_space<hbm>>, %arg18: memref<1xi32, #tpu.memory_space<hbm>>, %arg19: memref<100000x128xf32, #tpu.memory_space<hbm>>, %arg20: memref<100000xf32, #tpu.memory_space<hbm>>, %arg21: memref<100000xf32, #tpu.memory_space<hbm>>, %arg22: memref<100000xi32, #tpu.memory_space<hbm>>, %arg23: memref<4096xi32, #tpu.memory_space<vmem>>, %arg24: memref<128xi32, #tpu.memory_space<vmem>>, %arg25: memref<128xi32, #tpu.memory_space<vmem>>, %arg26: memref<128x128xf32, #tpu.memory_space<vmem>>, %arg27: memref<128xf32, #tpu.memory_space<vmem>>, %arg28: memref<128xf32, #tpu.memory_space<vmem>>, %arg29: memref<128xi32, #tpu.memory_space<vmem>>, %arg30: memref<128x128xf32, #tpu.memory_space<vmem>>, %arg31: memref<128xf32, #tpu.memory_space<vmem>>, %arg32: memref<128xf32, #tpu.memory_space<vmem>>, %arg33: memref<128xi32, #tpu.memory_space<vmem>>, %arg34: memref<16xi32, #tpu.memory_space<vmem>>, %arg35: memref<16xi32, #tpu.memory_space<vmem>>, %arg36: memref<16xi32, #tpu.memory_space<vmem>>, %arg37: memref<!tpu.dma_semaphore, #tpu.memory_space<semaphore_mem>>, %arg38: memref<!tpu.dma_semaphore, #tpu.memory_space<semaphore_mem>>) attributes {dimension_semantics = [#tpu.dimension_semantics<core_parallel>, #tpu.dimension_semantics<subcore_parallel>], iteration_bounds = array<i64: 2, 16>, scalar_prefetch = 0 : i64, scratch_operands = 16 : i64, tpu.core_type = #tpu.core_type<sc_vector_subcore>, window_params = [{transform_indices = #map}, {transform_indices = #map1}, {transform_indices = #map}, {transform_indices = #map}, {transform_indices = #map}, {transform_indices = #map}, {transform_indices = #map}, {transform_indices = #map1}, {transform_indices = #map}, {transform_indices = #map}, {transform_indices = #map}, {transform_indices = #map1}, {transform_indices = #map}, {transform_indices = #map}, {transform_indices = #map}, {transform_indices = #map}, {transform_indices = #map}, {transform_indices = #map1}, {transform_indices = #map}, {transform_indices = #map}, {transform_indices = #map}]} {
    %mul3A = arith.constant 16 : i32
    %mul3A_0 = arith.muli %arg0, %mul3A : i32
    %add3A = arith.addi %mul3A_0, %arg1 : i32
    %mul3A_1 = arith.constant 128 : i32
    %mul3A_2 = arith.muli %add3A, %mul3A_1 : i32
    "tpu.region"() ({
      %run_scoped3A = tpu.sem_alloc : memref<!tpu.dma_semaphore, #tpu.memory_space<semaphore_mem>>
      tpu.enqueue_dma source(%arg2 : memref<4096xi32, #tpu.memory_space<hbm>>) target(%arg23 : memref<4096xi32, #tpu.memory_space<vmem>>) target_semaphore(%run_scoped3A : memref<!tpu.dma_semaphore, #tpu.memory_space<semaphore_mem>>)
      tpu.wait_dma2 semaphore(%run_scoped3A : memref<!tpu.dma_semaphore, #tpu.memory_space<semaphore_mem>>) src(%arg2 : memref<4096xi32, #tpu.memory_space<hbm>>) dst(%arg23 : memref<4096xi32, #tpu.memory_space<vmem>>)
      tpu.yield
    }) : () -> ()
    "tpu.region"() ({
      %run_scoped3A = tpu.sem_alloc : memref<!tpu.dma_semaphore, #tpu.memory_space<semaphore_mem>>
      tpu.enqueue_dma source(%arg7 : memref<16xi32, #tpu.memory_space<hbm>>) target(%arg34 : memref<16xi32, #tpu.memory_space<vmem>>) target_semaphore(%run_scoped3A : memref<!tpu.dma_semaphore, #tpu.memory_space<semaphore_mem>>)
      tpu.wait_dma2 semaphore(%run_scoped3A : memref<!tpu.dma_semaphore, #tpu.memory_space<semaphore_mem>>) src(%arg7 : memref<16xi32, #tpu.memory_space<hbm>>) dst(%arg34 : memref<16xi32, #tpu.memory_space<vmem>>)
      tpu.yield
    }) : () -> ()
    "tpu.region"() ({
      %run_scoped3A = tpu.sem_alloc : memref<!tpu.dma_semaphore, #tpu.memory_space<semaphore_mem>>
      tpu.enqueue_dma source(%arg8 : memref<16xi32, #tpu.memory_space<hbm>>) target(%arg35 : memref<16xi32, #tpu.memory_space<vmem>>) target_semaphore(%run_scoped3A : memref<!tpu.dma_semaphore, #tpu.memory_space<semaphore_mem>>)
      tpu.wait_dma2 semaphore(%run_scoped3A : memref<!tpu.dma_semaphore, #tpu.memory_space<semaphore_mem>>) src(%arg8 : memref<16xi32, #tpu.memory_space<hbm>>) dst(%arg35 : memref<16xi32, #tpu.memory_space<vmem>>)
      tpu.yield
    }) : () -> ()
    %get3A = arith.constant 0 : index
    %get3A_3 = tpu.vector_load %arg34[%get3A] {strides = array<i32>} : memref<16xi32, #tpu.memory_space<vmem>>, vector<16xi32>,
    %mul3A_4 = arith.constant 8 : i32
    %mul3A_5 = arith.muli %add3A, %mul3A_4 : i32
    %broadcast_in_dim3A = arith.constant 0 : i32
    %broadcast_in_dim3A_6 = vector.broadcast %broadcast_in_dim3A : i32 to vector<16xi32>
    %while3A = arith.constant 0 : i32
    %while3A_7 = arith.subi %mul3A_5, %while3A : i32
    %while3A_8 = arith.addi %while3A, %while3A_7 : i32
    %while3A_9 = arith.constant 1 : i32
    %while3A_10 = arith.divsi %while3A_7, %while3A_9 : i32
    %while3A_11 = arith.muli %while3A_10, %while3A_9 : i32
    %while3A_12 = arith.addi %while3A, %while3A_11 : i32
    %while3A_13 = arith.constant 1 : i32
    %while3A_14 = scf.for %while3A_80 = %while3A to %while3A_12 step %while3A_13 iter_args(%while3A_81 = %broadcast_in_dim3A_6) -> (vector<16xi32>)  : i32 {
      %mul3A_82 = arith.constant 16 : i32
      %mul3A_83 = arith.muli %while3A_80, %mul3A_82 : i32
      %get3A_84 = arith.index_cast %mul3A_83 : i32 to index
      %get3A_85 = tpu.vector_load %arg23[%get3A_84] {strides = array<i32>} : memref<4096xi32, #tpu.memory_space<vmem>>, vector<16xi32>,
      %add3A_86 = arith.addi %while3A_81, %get3A_85 : vector<16xi32>
      scf.yield %add3A_86 : vector<16xi32>
    }
    %while3A_15 = arith.constant 1 : i32
    %while3A_16 = scf.for %while3A_80 = %while3A_12 to %while3A_8 step %while3A_15 iter_args(%while3A_81 = %while3A_14) -> (vector<16xi32>)  : i32 {
      %mul3A_82 = arith.constant 16 : i32
      %mul3A_83 = arith.muli %while3A_80, %mul3A_82 : i32
      %get3A_84 = arith.index_cast %mul3A_83 : i32 to index
      %get3A_85 = tpu.vector_load %arg23[%get3A_84] {strides = array<i32>} : memref<4096xi32, #tpu.memory_space<vmem>>, vector<16xi32>,
      %add3A_86 = arith.addi %while3A_81, %get3A_85 : vector<16xi32>
      scf.yield %add3A_86 : vector<16xi32>
    }
    %reduce_sum3A = arith.constant true
    %reduce_sum3A_17 = vector.broadcast %reduce_sum3A : i1 to vector<16xi1>
    %reduce_sum3A_18 = tpu.scan <sum>, %while3A_16 masked %reduce_sum3A_17 : vector<16xi32>, vector<16xi1> -> vector<16xi32>
    %reduce_sum3A_19 = vector.extract %reduce_sum3A_18[15] : i32 from vector<16xi32>
    %iota3A = tpu.iota {dimensions = array<i32: 0>} : vector<16xi32>
    %scan3A = arith.constant 0 : i32
    %scan3A_20 = arith.constant 0 : i32
    %scan3A_21 = arith.constant 8 : i32
    %scan3A_22 = arith.addi %scan3A_20, %scan3A_21 : i32
    %scan3A_23 = arith.constant 1 : i32
    %scan3A_24 = scf.for %scan3A_80 = %scan3A_20 to %scan3A_22 step %scan3A_23 iter_args(%scan3A_81 = %scan3A) -> (i32)  : i32 {
      %mul3A_82 = arith.constant 8 : i32
      %mul3A_83 = arith.muli %add3A, %mul3A_82 : i32
      %add3A_84 = arith.addi %mul3A_83, %scan3A_80 : i32
      %mul3A_85 = arith.constant 16 : i32
      %mul3A_86 = arith.muli %add3A_84, %mul3A_85 : i32
      %get3A_87 = arith.index_cast %mul3A_86 : i32 to index
      %get3A_88 = tpu.vector_load %arg23[%get3A_87] {strides = array<i32>} : memref<4096xi32, #tpu.memory_space<vmem>>, vector<16xi32>,
      %add3A_89 = arith.addi %reduce_sum3A_19, %scan3A_81 : i32
      %cumsum3A = arith.constant true
      %cumsum3A_90 = vector.broadcast %cumsum3A : i1 to vector<16xi1>
      %cumsum3A_91 = tpu.scan <sum>, %get3A_88 masked %cumsum3A_90 : vector<16xi32>, vector<16xi1> -> vector<16xi32>
      %add3A_92 = vector.broadcast %add3A_89 : i32 to vector<16xi32>
      %add3A_93 = arith.addi %add3A_92, %cumsum3A_91 : vector<16xi32>
      %sub3A = arith.subi %add3A_93, %get3A_88 : vector<16xi32>
      %add3A_94 = arith.constant 4096 : i32
      %add3A_95 = arith.addi %add3A_94, %mul3A_2 : i32
      %mul3A_96 = arith.constant 16 : i32
      %mul3A_97 = arith.muli %scan3A_80, %mul3A_96 : i32
      %add3A_98 = arith.addi %add3A_95, %mul3A_97 : i32
      %add3A_99 = vector.broadcast %add3A_98 : i32 to vector<16xi32>
      %add3A_100 = arith.addi %get3A_3, %add3A_99 : vector<16xi32>
      %add3A_101 = arith.addi %add3A_100, %iota3A : vector<16xi32>
      %jit3A = arith.constant 100000 : i32
      %eq3A_102 = arith.constant 0 : i32
      %eq3A_103 = arith.cmpi eq, %jit3A, %eq3A_102 : i32
      %jit3A_104 = arith.constant 1 : i32
      %select_n3A = arith.select %eq3A_103, %jit3A_104, %jit3A : i32
      %rem3A = vector.broadcast %select_n3A : i32 to vector<16xi32>
      %rem3A_105 = arith.remsi %add3A_101, %rem3A : vector<16xi32>
      %ne3A = arith.constant 0 : i32
      %ne3A_106 = vector.broadcast %ne3A : i32 to vector<16xi32>
      %ne3A_107 = arith.cmpi ne, %rem3A_105, %ne3A_106 : vector<16xi32>
      %lt3A = arith.constant 0 : i32
      %lt3A_108 = vector.broadcast %lt3A : i32 to vector<16xi32>
      %lt3A_109 = arith.cmpi slt, %rem3A_105, %lt3A_108 : vector<16xi32>
      %lt3A_110 = arith.constant 0 : i32
      %lt3A_111 = arith.cmpi slt, %select_n3A, %lt3A_110 : i32
      %ne3A_112 = vector.broadcast %lt3A_111 : i1 to vector<16xi1>
      %ne3A_113 = vector.broadcast %ne3A_112 : vector<16xi1> to vector<16xi1>
      %ne3A_114 = arith.xori %lt3A_109, %ne3A_113 : vector<16xi1>
      %and3A = arith.andi %ne3A_114, %ne3A_107 : vector<16xi1>
      %add3A_115 = vector.broadcast %select_n3A : i32 to vector<16xi32>
      %add3A_116 = arith.addi %rem3A_105, %add3A_115 : vector<16xi32>
      %select_n3A_117 = arith.select %and3A, %add3A_116, %rem3A_105 : vector<16xi1>, vector<16xi32>
      %add3A_118 = arith.addi %get3A_3, %sub3A : vector<16xi32>
      %jit3A_119 = arith.constant 100000 : i32
      %eq3A_120 = arith.constant 0 : i32
      %eq3A_121 = arith.cmpi eq, %jit3A_119, %eq3A_120 : i32
      %jit3A_122 = arith.constant 1 : i32
      %select_n3A_123 = arith.select %eq3A_121, %jit3A_122, %jit3A_119 : i32
      %rem3A_124 = vector.broadcast %select_n3A_123 : i32 to vector<16xi32>
      %rem3A_125 = arith.remsi %add3A_118, %rem3A_124 : vector<16xi32>
      %ne3A_126 = arith.constant 0 : i32
      %ne3A_127 = vector.broadcast %ne3A_126 : i32 to vector<16xi32>
      %ne3A_128 = arith.cmpi ne, %rem3A_125, %ne3A_127 : vector<16xi32>
      %lt3A_129 = arith.constant 0 : i32
      %lt3A_130 = vector.broadcast %lt3A_129 : i32 to vector<16xi32>
      %lt3A_131 = arith.cmpi slt, %rem3A_125, %lt3A_130 : vector<16xi32>
      %lt3A_132 = arith.constant 0 : i32
      %lt3A_133 = arith.cmpi slt, %select_n3A_123, %lt3A_132 : i32
      %ne3A_134 = vector.broadcast %lt3A_133 : i1 to vector<16xi1>
      %ne3A_135 = vector.broadcast %ne3A_134 : vector<16xi1> to vector<16xi1>
      %ne3A_136 = arith.xori %lt3A_131, %ne3A_135 : vector<16xi1>
      %and3A_137 = arith.andi %ne3A_136, %ne3A_128 : vector<16xi1>
      %add3A_138 = vector.broadcast %select_n3A_123 : i32 to vector<16xi32>
      %add3A_139 = arith.addi %rem3A_125, %add3A_138 : vector<16xi32>
      %select_n3A_140 = arith.select %and3A_137, %add3A_139, %rem3A_125 : vector<16xi1>, vector<16xi32>
      %gt3A = arith.constant 0 : i32
      %gt3A_141 = vector.broadcast %gt3A : i32 to vector<16xi32>
      %gt3A_142 = arith.cmpi sgt, %get3A_88, %gt3A_141 : vector<16xi32>
      %select_n3A_143 = arith.select %gt3A_142, %select_n3A_140, %select_n3A_117 : vector<16xi1>, vector<16xi32>
      %mul3A_144 = arith.constant 16 : i32
      %mul3A_145 = arith.muli %scan3A_80, %mul3A_144 : i32
      %swap3A = arith.index_cast %mul3A_145 : i32 to index
      %swap3A_146 = tpu.vector_load %arg24[%swap3A] {strides = array<i32>} : memref<128xi32, #tpu.memory_space<vmem>>, vector<16xi32>,
      tpu.vector_store %arg24[%swap3A], %select_n3A_143 {strides = array<i32>} : memref<128xi32, #tpu.memory_space<vmem>>, vector<16xi32>,
      %mul3A_147 = arith.constant 16 : i32
      %mul3A_148 = arith.muli %scan3A_80, %mul3A_147 : i32
      %swap3A_149 = arith.index_cast %mul3A_148 : i32 to index
      %swap3A_150 = tpu.vector_load %arg25[%swap3A_149] {strides = array<i32>} : memref<128xi32, #tpu.memory_space<vmem>>, vector<16xi32>,
      tpu.vector_store %arg25[%swap3A_149], %select_n3A_117 {strides = array<i32>} : memref<128xi32, #tpu.memory_space<vmem>>, vector<16xi32>,
      %reduce_sum3A_151 = arith.constant true
      %reduce_sum3A_152 = vector.broadcast %reduce_sum3A_151 : i1 to vector<16xi1>
      %reduce_sum3A_153 = tpu.scan <sum>, %get3A_88 masked %reduce_sum3A_152 : vector<16xi32>, vector<16xi1> -> vector<16xi32>
      %reduce_sum3A_154 = vector.extract %reduce_sum3A_153[15] : i32 from vector<16xi32>
      %add3A_155 = arith.addi %scan3A_81, %reduce_sum3A_154 : i32
      scf.yield %add3A_155 : i32
    }
    %scan3A_25 = arith.constant 8 : i32
    "tpu.region"() ({
      %run_scoped3A = tpu.sem_alloc : memref<!tpu.dma_semaphore, #tpu.memory_space<semaphore_mem>>
      %dma_start3A_80 = arith.constant 0 : i32
      %dma_start3A_81 = tpu.memref_slice %arg3[%mul3A_2, %dma_start3A_80] : memref<4096x128xf32, #tpu.memory_space<hbm>> -> memref<128x128xf32, #tpu.memory_space<hbm>>
      %dma_start3A_82 = arith.constant 0 : i32
      %dma_start3A_83 = tpu.memref_slice %arg3[%mul3A_2, %dma_start3A_82] : memref<4096x128xf32, #tpu.memory_space<hbm>> -> memref<128x128xf32, #tpu.memory_space<hbm>>
      tpu.enqueue_dma source(%dma_start3A_83 : memref<128x128xf32, #tpu.memory_space<hbm>>) target(%arg26 : memref<128x128xf32, #tpu.memory_space<vmem>>) target_semaphore(%run_scoped3A : memref<!tpu.dma_semaphore, #tpu.memory_space<semaphore_mem>>)
      %dma_wait3A_84 = arith.constant 0 : i32
      %dma_wait3A_85 = tpu.memref_slice %arg3[%mul3A_2, %dma_wait3A_84] : memref<4096x128xf32, #tpu.memory_space<hbm>> -> memref<128x128xf32, #tpu.memory_space<hbm>>
      %dma_wait3A_86 = arith.constant 0 : i32
      %dma_wait3A_87 = tpu.memref_slice %arg3[%mul3A_2, %dma_wait3A_86] : memref<4096x128xf32, #tpu.memory_space<hbm>> -> memref<128x128xf32, #tpu.memory_space<hbm>>
      tpu.wait_dma2 semaphore(%run_scoped3A : memref<!tpu.dma_semaphore, #tpu.memory_space<semaphore_mem>>) src(%dma_wait3A_87 : memref<128x128xf32, #tpu.memory_space<hbm>>) dst(%arg26 : memref<128x128xf32, #tpu.memory_space<vmem>>)
      tpu.yield
    }) : () -> ()
    "tpu.region"() ({
      %run_scoped3A = tpu.sem_alloc : memref<!tpu.dma_semaphore, #tpu.memory_space<semaphore_mem>>
      %dma_start3A_80 = tpu.memref_slice %arg4[%mul3A_2] : memref<4096xf32, #tpu.memory_space<hbm>> -> memref<128xf32, #tpu.memory_space<hbm>>
      %dma_start3A_81 = tpu.memref_slice %arg4[%mul3A_2] : memref<4096xf32, #tpu.memory_space<hbm>> -> memref<128xf32, #tpu.memory_space<hbm>>
      tpu.enqueue_dma source(%dma_start3A_81 : memref<128xf32, #tpu.memory_space<hbm>>) target(%arg27 : memref<128xf32, #tpu.memory_space<vmem>>) target_semaphore(%run_scoped3A : memref<!tpu.dma_semaphore, #tpu.memory_space<semaphore_mem>>)
      %dma_wait3A_82 = tpu.memref_slice %arg4[%mul3A_2] : memref<4096xf32, #tpu.memory_space<hbm>> -> memref<128xf32, #tpu.memory_space<hbm>>
      %dma_wait3A_83 = tpu.memref_slice %arg4[%mul3A_2] : memref<4096xf32, #tpu.memory_space<hbm>> -> memref<128xf32, #tpu.memory_space<hbm>>
      tpu.wait_dma2 semaphore(%run_scoped3A : memref<!tpu.dma_semaphore, #tpu.memory_space<semaphore_mem>>) src(%dma_wait3A_83 : memref<128xf32, #tpu.memory_space<hbm>>) dst(%arg27 : memref<128xf32, #tpu.memory_space<vmem>>)
      tpu.yield
    }) : () -> ()
    "tpu.region"() ({
      %run_scoped3A = tpu.sem_alloc : memref<!tpu.dma_semaphore, #tpu.memory_space<semaphore_mem>>
      %dma_start3A_80 = tpu.memref_slice %arg5[%mul3A_2] : memref<4096xf32, #tpu.memory_space<hbm>> -> memref<128xf32, #tpu.memory_space<hbm>>
      %dma_start3A_81 = tpu.memref_slice %arg5[%mul3A_2] : memref<4096xf32, #tpu.memory_space<hbm>> -> memref<128xf32, #tpu.memory_space<hbm>>
      tpu.enqueue_dma source(%dma_start3A_81 : memref<128xf32, #tpu.memory_space<hbm>>) target(%arg28 : memref<128xf32, #tpu.memory_space<vmem>>) target_semaphore(%run_scoped3A : memref<!tpu.dma_semaphore, #tpu.memory_space<semaphore_mem>>)
      %dma_wait3A_82 = tpu.memref_slice %arg5[%mul3A_2] : memref<4096xf32, #tpu.memory_space<hbm>> -> memref<128xf32, #tpu.memory_space<hbm>>
      %dma_wait3A_83 = tpu.memref_slice %arg5[%mul3A_2] : memref<4096xf32, #tpu.memory_space<hbm>> -> memref<128xf32, #tpu.memory_space<hbm>>
      tpu.wait_dma2 semaphore(%run_scoped3A : memref<!tpu.dma_semaphore, #tpu.memory_space<semaphore_mem>>) src(%dma_wait3A_83 : memref<128xf32, #tpu.memory_space<hbm>>) dst(%arg28 : memref<128xf32, #tpu.memory_space<vmem>>)
      tpu.yield
    }) : () -> ()
    "tpu.region"() ({
      %run_scoped3A = tpu.sem_alloc : memref<!tpu.dma_semaphore, #tpu.memory_space<semaphore_mem>>
      %dma_start3A_80 = tpu.memref_slice %arg6[%mul3A_2] : memref<4096xi32, #tpu.memory_space<hbm>> -> memref<128xi32, #tpu.memory_space<hbm>>
      %dma_start3A_81 = tpu.memref_slice %arg6[%mul3A_2] : memref<4096xi32, #tpu.memory_space<hbm>> -> memref<128xi32, #tpu.memory_space<hbm>>
      tpu.enqueue_dma source(%dma_start3A_81 : memref<128xi32, #tpu.memory_space<hbm>>) target(%arg29 : memref<128xi32, #tpu.memory_space<vmem>>) target_semaphore(%run_scoped3A : memref<!tpu.dma_semaphore, #tpu.memory_space<semaphore_mem>>)
      %dma_wait3A_82 = tpu.memref_slice %arg6[%mul3A_2] : memref<4096xi32, #tpu.memory_space<hbm>> -> memref<128xi32, #tpu.memory_space<hbm>>
      %dma_wait3A_83 = tpu.memref_slice %arg6[%mul3A_2] : memref<4096xi32, #tpu.memory_space<hbm>> -> memref<128xi32, #tpu.memory_space<hbm>>
      tpu.wait_dma2 semaphore(%run_scoped3A : memref<!tpu.dma_semaphore, #tpu.memory_space<semaphore_mem>>) src(%dma_wait3A_83 : memref<128xi32, #tpu.memory_space<hbm>>) dst(%arg29 : memref<128xi32, #tpu.memory_space<vmem>>)
      tpu.yield
    }) : () -> ()
    %dma_start3A = arith.constant 0 : i32
    %dma_start3A_26 = arith.constant 0 : i32
    %dma_start3A_27 = tpu.memref_slice %arg13[%dma_start3A, %dma_start3A_26] : memref<100000x128xf32, #tpu.memory_space<hbm>> -> memref<100000x128xf32, #tpu.memory_space<hbm>>
    tpu.enqueue_indirect_dma source(%arg26 : memref<128x128xf32, #tpu.memory_space<vmem>>) target(%dma_start3A_27 : memref<100000x128xf32, #tpu.memory_space<hbm>>) offsets(%arg24 : memref<128xi32, #tpu.memory_space<vmem>>) semaphore(%arg37 : memref<!tpu.dma_semaphore, #tpu.memory_space<semaphore_mem>>)
    %dma_start3A_28 = arith.constant 0 : i32
    %dma_start3A_29 = tpu.memref_slice %arg14[%dma_start3A_28] : memref<100000xf32, #tpu.memory_space<hbm>> -> memref<100000xf32, #tpu.memory_space<hbm>>
    tpu.enqueue_indirect_dma source(%arg27 : memref<128xf32, #tpu.memory_space<vmem>>) target(%dma_start3A_29 : memref<100000xf32, #tpu.memory_space<hbm>>) offsets(%arg24 : memref<128xi32, #tpu.memory_space<vmem>>) semaphore(%arg37 : memref<!tpu.dma_semaphore, #tpu.memory_space<semaphore_mem>>)
    %dma_start3A_30 = arith.constant 0 : i32
    %dma_start3A_31 = tpu.memref_slice %arg15[%dma_start3A_30] : memref<100000xf32, #tpu.memory_space<hbm>> -> memref<100000xf32, #tpu.memory_space<hbm>>
    tpu.enqueue_indirect_dma source(%arg28 : memref<128xf32, #tpu.memory_space<vmem>>) target(%dma_start3A_31 : memref<100000xf32, #tpu.memory_space<hbm>>) offsets(%arg24 : memref<128xi32, #tpu.memory_space<vmem>>) semaphore(%arg37 : memref<!tpu.dma_semaphore, #tpu.memory_space<semaphore_mem>>)
    %dma_start3A_32 = arith.constant 0 : i32
    %dma_start3A_33 = tpu.memref_slice %arg16[%dma_start3A_32] : memref<100000xi32, #tpu.memory_space<hbm>> -> memref<100000xi32, #tpu.memory_space<hbm>>
    tpu.enqueue_indirect_dma source(%arg29 : memref<128xi32, #tpu.memory_space<vmem>>) target(%dma_start3A_33 : memref<100000xi32, #tpu.memory_space<hbm>>) offsets(%arg24 : memref<128xi32, #tpu.memory_space<vmem>>) semaphore(%arg37 : memref<!tpu.dma_semaphore, #tpu.memory_space<semaphore_mem>>)
    %dma_start3A_34 = arith.constant 0 : i32
    %dma_start3A_35 = arith.constant 0 : i32
    %dma_start3A_36 = tpu.memref_slice %arg9[%dma_start3A_34, %dma_start3A_35] : memref<100000x128xf32, #tpu.memory_space<hbm>> -> memref<100000x128xf32, #tpu.memory_space<hbm>>
    tpu.enqueue_indirect_dma source(%dma_start3A_36 : memref<100000x128xf32, #tpu.memory_space<hbm>>) target(%arg30 : memref<128x128xf32, #tpu.memory_space<vmem>>) offsets(%arg25 : memref<128xi32, #tpu.memory_space<vmem>>) semaphore(%arg38 : memref<!tpu.dma_semaphore, #tpu.memory_space<semaphore_mem>>)
    %dma_start3A_37 = arith.constant 0 : i32
    %dma_start3A_38 = tpu.memref_slice %arg10[%dma_start3A_37] : memref<100000xf32, #tpu.memory_space<hbm>> -> memref<100000xf32, #tpu.memory_space<hbm>>
    tpu.enqueue_indirect_dma source(%dma_start3A_38 : memref<100000xf32, #tpu.memory_space<hbm>>) target(%arg31 : memref<128xf32, #tpu.memory_space<vmem>>) offsets(%arg25 : memref<128xi32, #tpu.memory_space<vmem>>) semaphore(%arg38 : memref<!tpu.dma_semaphore, #tpu.memory_space<semaphore_mem>>)
    %dma_start3A_39 = arith.constant 0 : i32
    %dma_start3A_40 = tpu.memref_slice %arg11[%dma_start3A_39] : memref<100000xf32, #tpu.memory_space<hbm>> -> memref<100000xf32, #tpu.memory_space<hbm>>
    tpu.enqueue_indirect_dma source(%dma_start3A_40 : memref<100000xf32, #tpu.memory_space<hbm>>) target(%arg32 : memref<128xf32, #tpu.memory_space<vmem>>) offsets(%arg25 : memref<128xi32, #tpu.memory_space<vmem>>) semaphore(%arg38 : memref<!tpu.dma_semaphore, #tpu.memory_space<semaphore_mem>>)
    %dma_start3A_41 = arith.constant 0 : i32
    %dma_start3A_42 = tpu.memref_slice %arg12[%dma_start3A_41] : memref<100000xi32, #tpu.memory_space<hbm>> -> memref<100000xi32, #tpu.memory_space<hbm>>
    tpu.enqueue_indirect_dma source(%dma_start3A_42 : memref<100000xi32, #tpu.memory_space<hbm>>) target(%arg33 : memref<128xi32, #tpu.memory_space<vmem>>) offsets(%arg25 : memref<128xi32, #tpu.memory_space<vmem>>) semaphore(%arg38 : memref<!tpu.dma_semaphore, #tpu.memory_space<semaphore_mem>>)
    %dma_wait3A = arith.constant 0 : i32
    %dma_wait3A_43 = arith.constant 0 : i32
    %dma_wait3A_44 = tpu.memref_slice %arg13[%dma_wait3A, %dma_wait3A_43] : memref<100000x128xf32, #tpu.memory_space<hbm>> -> memref<100000x128xf32, #tpu.memory_space<hbm>>
    tpu.wait_indirect_dma semaphore(%arg37 : memref<!tpu.dma_semaphore, #tpu.memory_space<semaphore_mem>>) src(%arg26 : memref<128x128xf32, #tpu.memory_space<vmem>>) dst(%dma_wait3A_44 : memref<100000x128xf32, #tpu.memory_space<hbm>>)
    %dma_wait3A_45 = arith.constant 0 : i32
    %dma_wait3A_46 = tpu.memref_slice %arg14[%dma_wait3A_45] : memref<100000xf32, #tpu.memory_space<hbm>> -> memref<100000xf32, #tpu.memory_space<hbm>>
    tpu.wait_indirect_dma semaphore(%arg37 : memref<!tpu.dma_semaphore, #tpu.memory_space<semaphore_mem>>) src(%arg27 : memref<128xf32, #tpu.memory_space<vmem>>) dst(%dma_wait3A_46 : memref<100000xf32, #tpu.memory_space<hbm>>)
    %dma_wait3A_47 = arith.constant 0 : i32
    %dma_wait3A_48 = tpu.memref_slice %arg15[%dma_wait3A_47] : memref<100000xf32, #tpu.memory_space<hbm>> -> memref<100000xf32, #tpu.memory_space<hbm>>
    tpu.wait_indirect_dma semaphore(%arg37 : memref<!tpu.dma_semaphore, #tpu.memory_space<semaphore_mem>>) src(%arg28 : memref<128xf32, #tpu.memory_space<vmem>>) dst(%dma_wait3A_48 : memref<100000xf32, #tpu.memory_space<hbm>>)
    %dma_wait3A_49 = arith.constant 0 : i32
    %dma_wait3A_50 = tpu.memref_slice %arg16[%dma_wait3A_49] : memref<100000xi32, #tpu.memory_space<hbm>> -> memref<100000xi32, #tpu.memory_space<hbm>>
    tpu.wait_indirect_dma semaphore(%arg37 : memref<!tpu.dma_semaphore, #tpu.memory_space<semaphore_mem>>) src(%arg29 : memref<128xi32, #tpu.memory_space<vmem>>) dst(%dma_wait3A_50 : memref<100000xi32, #tpu.memory_space<hbm>>)
    %dma_wait3A_51 = arith.constant 0 : i32
    %dma_wait3A_52 = arith.constant 0 : i32
    %dma_wait3A_53 = tpu.memref_slice %arg9[%dma_wait3A_51, %dma_wait3A_52] : memref<100000x128xf32, #tpu.memory_space<hbm>> -> memref<100000x128xf32, #tpu.memory_space<hbm>>
    tpu.wait_indirect_dma semaphore(%arg38 : memref<!tpu.dma_semaphore, #tpu.memory_space<semaphore_mem>>) src(%dma_wait3A_53 : memref<100000x128xf32, #tpu.memory_space<hbm>>) dst(%arg30 : memref<128x128xf32, #tpu.memory_space<vmem>>)
    %dma_wait3A_54 = arith.constant 0 : i32
    %dma_wait3A_55 = tpu.memref_slice %arg10[%dma_wait3A_54] : memref<100000xf32, #tpu.memory_space<hbm>> -> memref<100000xf32, #tpu.memory_space<hbm>>
    tpu.wait_indirect_dma semaphore(%arg38 : memref<!tpu.dma_semaphore, #tpu.memory_space<semaphore_mem>>) src(%dma_wait3A_55 : memref<100000xf32, #tpu.memory_space<hbm>>) dst(%arg31 : memref<128xf32, #tpu.memory_space<vmem>>)
    %dma_wait3A_56 = arith.constant 0 : i32
    %dma_wait3A_57 = tpu.memref_slice %arg11[%dma_wait3A_56] : memref<100000xf32, #tpu.memory_space<hbm>> -> memref<100000xf32, #tpu.memory_space<hbm>>
    tpu.wait_indirect_dma semaphore(%arg38 : memref<!tpu.dma_semaphore, #tpu.memory_space<semaphore_mem>>) src(%dma_wait3A_57 : memref<100000xf32, #tpu.memory_space<hbm>>) dst(%arg32 : memref<128xf32, #tpu.memory_space<vmem>>)
    %dma_wait3A_58 = arith.constant 0 : i32
    %dma_wait3A_59 = tpu.memref_slice %arg12[%dma_wait3A_58] : memref<100000xi32, #tpu.memory_space<hbm>> -> memref<100000xi32, #tpu.memory_space<hbm>>
    tpu.wait_indirect_dma semaphore(%arg38 : memref<!tpu.dma_semaphore, #tpu.memory_space<semaphore_mem>>) src(%dma_wait3A_59 : memref<100000xi32, #tpu.memory_space<hbm>>) dst(%arg33 : memref<128xi32, #tpu.memory_space<vmem>>)
    %dma_start3A_60 = arith.constant 0 : i32
    %dma_start3A_61 = arith.constant 0 : i32
    %dma_start3A_62 = tpu.memref_slice %arg13[%dma_start3A_60, %dma_start3A_61] : memref<100000x128xf32, #tpu.memory_space<hbm>> -> memref<100000x128xf32, #tpu.memory_space<hbm>>
    tpu.enqueue_indirect_dma source(%arg30 : memref<128x128xf32, #tpu.memory_space<vmem>>) target(%dma_start3A_62 : memref<100000x128xf32, #tpu.memory_space<hbm>>) offsets(%arg25 : memref<128xi32, #tpu.memory_space<vmem>>) semaphore(%arg37 : memref<!tpu.dma_semaphore, #tpu.memory_space<semaphore_mem>>)
    %dma_start3A_63 = arith.constant 0 : i32
    %dma_start3A_64 = tpu.memref_slice %arg14[%dma_start3A_63] : memref<100000xf32, #tpu.memory_space<hbm>> -> memref<100000xf32, #tpu.memory_space<hbm>>
    tpu.enqueue_indirect_dma source(%arg31 : memref<128xf32, #tpu.memory_space<vmem>>) target(%dma_start3A_64 : memref<100000xf32, #tpu.memory_space<hbm>>) offsets(%arg25 : memref<128xi32, #tpu.memory_space<vmem>>) semaphore(%arg37 : memref<!tpu.dma_semaphore, #tpu.memory_space<semaphore_mem>>)
    %dma_start3A_65 = arith.constant 0 : i32
    %dma_start3A_66 = tpu.memref_slice %arg15[%dma_start3A_65] : memref<100000xf32, #tpu.memory_space<hbm>> -> memref<100000xf32, #tpu.memory_space<hbm>>
    tpu.enqueue_indirect_dma source(%arg32 : memref<128xf32, #tpu.memory_space<vmem>>) target(%dma_start3A_66 : memref<100000xf32, #tpu.memory_space<hbm>>) offsets(%arg25 : memref<128xi32, #tpu.memory_space<vmem>>) semaphore(%arg37 : memref<!tpu.dma_semaphore, #tpu.memory_space<semaphore_mem>>)
    %dma_start3A_67 = arith.constant 0 : i32
    %dma_start3A_68 = tpu.memref_slice %arg16[%dma_start3A_67] : memref<100000xi32, #tpu.memory_space<hbm>> -> memref<100000xi32, #tpu.memory_space<hbm>>
    tpu.enqueue_indirect_dma source(%arg33 : memref<128xi32, #tpu.memory_space<vmem>>) target(%dma_start3A_68 : memref<100000xi32, #tpu.memory_space<hbm>>) offsets(%arg25 : memref<128xi32, #tpu.memory_space<vmem>>) semaphore(%arg37 : memref<!tpu.dma_semaphore, #tpu.memory_space<semaphore_mem>>)
    %dma_wait3A_69 = arith.constant 0 : i32
    %dma_wait3A_70 = arith.constant 0 : i32
    %dma_wait3A_71 = tpu.memref_slice %arg13[%dma_wait3A_69, %dma_wait3A_70] : memref<100000x128xf32, #tpu.memory_space<hbm>> -> memref<100000x128xf32, #tpu.memory_space<hbm>>
    tpu.wait_indirect_dma semaphore(%arg37 : memref<!tpu.dma_semaphore, #tpu.memory_space<semaphore_mem>>) src(%arg30 : memref<128x128xf32, #tpu.memory_space<vmem>>) dst(%dma_wait3A_71 : memref<100000x128xf32, #tpu.memory_space<hbm>>)
    %dma_wait3A_72 = arith.constant 0 : i32
    %dma_wait3A_73 = tpu.memref_slice %arg14[%dma_wait3A_72] : memref<100000xf32, #tpu.memory_space<hbm>> -> memref<100000xf32, #tpu.memory_space<hbm>>
    tpu.wait_indirect_dma semaphore(%arg37 : memref<!tpu.dma_semaphore, #tpu.memory_space<semaphore_mem>>) src(%arg31 : memref<128xf32, #tpu.memory_space<vmem>>) dst(%dma_wait3A_73 : memref<100000xf32, #tpu.memory_space<hbm>>)
    %dma_wait3A_74 = arith.constant 0 : i32
    %dma_wait3A_75 = tpu.memref_slice %arg15[%dma_wait3A_74] : memref<100000xf32, #tpu.memory_space<hbm>> -> memref<100000xf32, #tpu.memory_space<hbm>>
    tpu.wait_indirect_dma semaphore(%arg37 : memref<!tpu.dma_semaphore, #tpu.memory_space<semaphore_mem>>) src(%arg32 : memref<128xf32, #tpu.memory_space<vmem>>) dst(%dma_wait3A_75 : memref<100000xf32, #tpu.memory_space<hbm>>)
    %dma_wait3A_76 = arith.constant 0 : i32
    %dma_wait3A_77 = tpu.memref_slice %arg16[%dma_wait3A_76] : memref<100000xi32, #tpu.memory_space<hbm>> -> memref<100000xi32, #tpu.memory_space<hbm>>
    tpu.wait_indirect_dma semaphore(%arg37 : memref<!tpu.dma_semaphore, #tpu.memory_space<semaphore_mem>>) src(%arg33 : memref<128xi32, #tpu.memory_space<vmem>>) dst(%dma_wait3A_77 : memref<100000xi32, #tpu.memory_space<hbm>>)
    %eq3A = arith.constant 0 : i32
    %eq3A_78 = arith.cmpi eq, %add3A, %eq3A : i32
    %convert_element_type3A = arith.extui %eq3A_78 : i1 to i32
    %cond3A = arith.constant 0 : i32
    %cond3A_79 = arith.cmpi ne, %convert_element_type3A, %cond3A : i32
    scf.if %cond3A_79 {
      %broadcast_in_dim3A_80 = arith.constant 0 : i32
      %broadcast_in_dim3A_81 = vector.broadcast %broadcast_in_dim3A_80 : i32 to vector<16xi32>
      %scan3A_82 = arith.constant 0 : i32
      %scan3A_83 = arith.constant 256 : i32
      %scan3A_84 = arith.addi %scan3A_82, %scan3A_83 : i32
      %scan3A_85 = arith.constant 1 : i32
      %scan3A_86 = scf.for %scan3A_127 = %scan3A_82 to %scan3A_84 step %scan3A_85 iter_args(%scan3A_128 = %broadcast_in_dim3A_81) -> (vector<16xi32>)  : i32 {
        %mul3A_129 = arith.constant 16 : i32
        %mul3A_130 = arith.muli %scan3A_127, %mul3A_129 : i32
        %get3A_131 = arith.index_cast %mul3A_130 : i32 to index
        %get3A_132 = tpu.vector_load %arg23[%get3A_131] {strides = array<i32>} : memref<4096xi32, #tpu.memory_space<vmem>>, vector<16xi32>,
        %add3A_133 = arith.addi %scan3A_128, %get3A_132 : vector<16xi32>
        scf.yield %add3A_133 : vector<16xi32>
      }
      %scan3A_87 = arith.constant 256 : i32
      %reduce_sum3A_88 = arith.constant true
      %reduce_sum3A_89 = vector.broadcast %reduce_sum3A_88 : i1 to vector<16xi1>
      %reduce_sum3A_90 = tpu.scan <sum>, %scan3A_86 masked %reduce_sum3A_89 : vector<16xi32>, vector<16xi1> -> vector<16xi32>
      %reduce_sum3A_91 = vector.extract %reduce_sum3A_90[15] : i32 from vector<16xi32>
      %reduce_max3A = arith.constant true
      %reduce_max3A_92 = vector.broadcast %reduce_max3A : i1 to vector<16xi1>
      %reduce_max3A_93 = arith.constant -2147483648 : i32
      %reduce_max3A_94 = vector.broadcast %reduce_max3A_93 : i32 to vector<16xi32>
      %reduce_max3A_95 = arith.xori %get3A_3, %reduce_max3A_94 : vector<16xi32>
      %reduce_max3A_96 = tpu.scan <max>, %reduce_max3A_95 masked %reduce_max3A_92 : vector<16xi32>, vector<16xi1> -> vector<16xi32>
      %reduce_max3A_97 = arith.xori %reduce_max3A_96, %reduce_max3A_94 : vector<16xi32>
      %reduce_max3A_98 = vector.extract %reduce_max3A_97[15] : i32 from vector<16xi32>
      %get3A_99 = arith.constant 0 : index
      %get3A_100 = tpu.vector_load %arg35[%get3A_99] {strides = array<i32>} : memref<16xi32, #tpu.memory_space<vmem>>, vector<16xi32>,
      %reduce_max3A_101 = arith.constant true
      %reduce_max3A_102 = vector.broadcast %reduce_max3A_101 : i1 to vector<16xi1>
      %reduce_max3A_103 = arith.constant -2147483648 : i32
      %reduce_max3A_104 = vector.broadcast %reduce_max3A_103 : i32 to vector<16xi32>
      %reduce_max3A_105 = arith.xori %get3A_100, %reduce_max3A_104 : vector<16xi32>
      %reduce_max3A_106 = tpu.scan <max>, %reduce_max3A_105 masked %reduce_max3A_102 : vector<16xi32>, vector<16xi1> -> vector<16xi32>
      %reduce_max3A_107 = arith.xori %reduce_max3A_106, %reduce_max3A_104 : vector<16xi32>
      %reduce_max3A_108 = vector.extract %reduce_max3A_107[15] : i32 from vector<16xi32>
      %add3A_109 = arith.addi %reduce_max3A_98, %reduce_sum3A_91 : i32
      %jit3A = arith.constant 100000 : i32
      %eq3A_110 = arith.constant 0 : i32
      %eq3A_111 = arith.cmpi eq, %jit3A, %eq3A_110 : i32
      %jit3A_112 = arith.constant 1 : i32
      %select_n3A = arith.select %eq3A_111, %jit3A_112, %jit3A : i32
      %rem3A = arith.remsi %add3A_109, %select_n3A : i32
      %ne3A = arith.constant 0 : i32
      %ne3A_113 = arith.cmpi ne, %rem3A, %ne3A : i32
      %lt3A = arith.constant 0 : i32
      %lt3A_114 = arith.cmpi slt, %rem3A, %lt3A : i32
      %lt3A_115 = arith.constant 0 : i32
      %lt3A_116 = arith.cmpi slt, %select_n3A, %lt3A_115 : i32
      %ne3A_117 = arith.xori %lt3A_114, %lt3A_116 : i1
      %and3A = arith.andi %ne3A_117, %ne3A_113 : i1
      %add3A_118 = arith.addi %rem3A, %select_n3A : i32
      %select_n3A_119 = arith.select %and3A, %add3A_118, %rem3A : i32
      %broadcast_in_dim3A_120 = vector.broadcast %select_n3A_119 : i32 to vector<16xi32>
      %swap3A = arith.constant 0 : index
      %swap3A_121 = tpu.vector_load %arg36[%swap3A] {strides = array<i32>} : memref<16xi32, #tpu.memory_space<vmem>>, vector<16xi32>,
      tpu.vector_store %arg36[%swap3A], %broadcast_in_dim3A_120 {strides = array<i32>} : memref<16xi32, #tpu.memory_space<vmem>>, vector<16xi32>,
      "tpu.region"() ({
        %run_scoped3A = tpu.sem_alloc : memref<!tpu.dma_semaphore, #tpu.memory_space<semaphore_mem>>
        %dma_start3A_127 = arith.constant 0 : i32
        %dma_start3A_128 = tpu.memref_slice %arg36[%dma_start3A_127] : memref<16xi32, #tpu.memory_space<vmem>> -> memref<1xi32, #tpu.memory_space<vmem>>
        %dma_start3A_129 = arith.constant 0 : i32
        %dma_start3A_130 = tpu.memref_slice %arg36[%dma_start3A_129] : memref<16xi32, #tpu.memory_space<vmem>> -> memref<1xi32, #tpu.memory_space<vmem>>
        tpu.enqueue_dma source(%dma_start3A_130 : memref<1xi32, #tpu.memory_space<vmem>>) target(%arg17 : memref<1xi32, #tpu.memory_space<hbm>>) target_semaphore(%run_scoped3A : memref<!tpu.dma_semaphore, #tpu.memory_space<semaphore_mem>>)
        %dma_wait3A_131 = arith.constant 0 : i32
        %dma_wait3A_132 = tpu.memref_slice %arg36[%dma_wait3A_131] : memref<16xi32, #tpu.memory_space<vmem>> -> memref<1xi32, #tpu.memory_space<vmem>>
        %dma_wait3A_133 = arith.constant 0 : i32
        %dma_wait3A_134 = tpu.memref_slice %arg36[%dma_wait3A_133] : memref<16xi32, #tpu.memory_space<vmem>> -> memref<1xi32, #tpu.memory_space<vmem>>
        tpu.wait_dma2 semaphore(%run_scoped3A : memref<!tpu.dma_semaphore, #tpu.memory_space<semaphore_mem>>) src(%dma_wait3A_134 : memref<1xi32, #tpu.memory_space<vmem>>) dst(%arg17 : memref<1xi32, #tpu.memory_space<hbm>>)
        tpu.yield
      }) : () -> ()
      %add3A_122 = arith.addi %reduce_max3A_108, %reduce_sum3A_91 : i32
      %min3A = arith.constant 100000 : i32
      %min3A_123 = arith.minsi %add3A_122, %min3A : i32
      %broadcast_in_dim3A_124 = vector.broadcast %min3A_123 : i32 to vector<16xi32>
      %swap3A_125 = arith.constant 0 : index
      %swap3A_126 = tpu.vector_load %arg36[%swap3A_125] {strides = array<i32>} : memref<16xi32, #tpu.memory_space<vmem>>, vector<16xi32>,
      tpu.vector_store %arg36[%swap3A_125], %broadcast_in_dim3A_124 {strides = array<i32>} : memref<16xi32, #tpu.memory_space<vmem>>, vector<16xi32>,
      "tpu.region"() ({
        %run_scoped3A = tpu.sem_alloc : memref<!tpu.dma_semaphore, #tpu.memory_space<semaphore_mem>>
        %dma_start3A_127 = arith.constant 0 : i32
        %dma_start3A_128 = tpu.memref_slice %arg36[%dma_start3A_127] : memref<16xi32, #tpu.memory_space<vmem>> -> memref<1xi32, #tpu.memory_space<vmem>>
        %dma_start3A_129 = arith.constant 0 : i32
        %dma_start3A_130 = tpu.memref_slice %arg36[%dma_start3A_129] : memref<16xi32, #tpu.memory_space<vmem>> -> memref<1xi32, #tpu.memory_space<vmem>>
        tpu.enqueue_dma source(%dma_start3A_130 : memref<1xi32, #tpu.memory_space<vmem>>) target(%arg18 : memref<1xi32, #tpu.memory_space<hbm>>) target_semaphore(%run_scoped3A : memref<!tpu.dma_semaphore, #tpu.memory_space<semaphore_mem>>)
        %dma_wait3A_131 = arith.constant 0 : i32
        %dma_wait3A_132 = tpu.memref_slice %arg36[%dma_wait3A_131] : memref<16xi32, #tpu.memory_space<vmem>> -> memref<1xi32, #tpu.memory_space<vmem>>
        %dma_wait3A_133 = arith.constant 0 : i32
        %dma_wait3A_134 = tpu.memref_slice %arg36[%dma_wait3A_133] : memref<16xi32, #tpu.memory_space<vmem>> -> memref<1xi32, #tpu.memory_space<vmem>>
        tpu.wait_dma2 semaphore(%run_scoped3A : memref<!tpu.dma_semaphore, #tpu.memory_space<semaphore_mem>>) src(%dma_wait3A_134 : memref<1xi32, #tpu.memory_space<vmem>>) dst(%arg18 : memref<1xi32, #tpu.memory_space<hbm>>)
        tpu.yield
      }) : () -> ()
    } else {
    }
    return
  }
}

module attributes {stable_mosaic.version = 14 : i64} {
  func.func @_copy_body(%arg0: i32, %arg1: memref<1000x128xf32, #tpu.memory_space<vmem>>, %arg2: memref<625x160xf32, #tpu.memory_space<vmem>>, %arg3: memref<625x160xf32, #tpu.memory_space<vmem>>, %arg4: memref<625x160xi32, #tpu.memory_space<vmem>>, %arg5: memref<1000x128xf32, #tpu.memory_space<vmem>>, %arg6: memref<625x160xf32, #tpu.memory_space<vmem>>, %arg7: memref<625x160xf32, #tpu.memory_space<vmem>>, %arg8: memref<625x160xi32, #tpu.memory_space<vmem>>) attributes {dimension_semantics = [#tpu.dimension_semantics<arbitrary>], iteration_bounds = array<i64: 100>, scalar_prefetch = 0 : i64, scratch_operands = 0 : i64, tpu.core_type = #tpu.core_type<tc>, window_params = [{transform_indices = @transform_0, window_bounds = array<i64: 1000, 128>}, {pipeline_mode = #tpu.pipeline_mode<synchronous>, transform_indices = @transform_1, window_bounds = array<i64: 625, 160>}, {pipeline_mode = #tpu.pipeline_mode<synchronous>, transform_indices = @transform_2, window_bounds = array<i64: 625, 160>}, {pipeline_mode = #tpu.pipeline_mode<synchronous>, transform_indices = @transform_3, window_bounds = array<i64: 625, 160>}, {transform_indices = @transform_4, window_bounds = array<i64: 1000, 128>}, {pipeline_mode = #tpu.pipeline_mode<synchronous>, transform_indices = @transform_5, window_bounds = array<i64: 625, 160>}, {pipeline_mode = #tpu.pipeline_mode<synchronous>, transform_indices = @transform_6, window_bounds = array<i64: 625, 160>}, {pipeline_mode = #tpu.pipeline_mode<synchronous>, transform_indices = @transform_7, window_bounds = array<i64: 625, 160>}]} {
    %get3A = arith.constant 0 : index
    %get3A_0 = arith.constant 0 : index
    %get3A_1 = vector.load %arg1[%get3A, %get3A_0] : memref<1000x128xf32, #tpu.memory_space<vmem>>, vector<1000x128xf32>
    %swap3A = arith.constant 0 : index
    %swap3A_2 = arith.constant 0 : index
    %swap3A_3 = vector.load %arg5[%swap3A, %swap3A_2] : memref<1000x128xf32, #tpu.memory_space<vmem>>, vector<1000x128xf32>
    tpu.vector_store %arg5[%swap3A, %swap3A_2], %get3A_1 {strides = array<i32>} : memref<1000x128xf32, #tpu.memory_space<vmem>>, vector<1000x128xf32>,
    %eq3A = arith.constant 0 : i32
    %eq3A_4 = arith.cmpi eq, %arg0, %eq3A : i32
    %convert_element_type3A = arith.extui %eq3A_4 : i1 to i32
    %cond3A = arith.constant 0 : i32
    %cond3A_5 = arith.cmpi ne, %convert_element_type3A, %cond3A : i32
    scf.if %cond3A_5 {
      %get3A_6 = arith.constant 0 : index
      %get3A_7 = arith.constant 0 : index
      %get3A_8 = vector.load %arg2[%get3A_6, %get3A_7] : memref<625x160xf32, #tpu.memory_space<vmem>>, vector<625x160xf32>
      %swap3A_9 = arith.constant 0 : index
      %swap3A_10 = arith.constant 0 : index
      %swap3A_11 = vector.load %arg6[%swap3A_9, %swap3A_10] : memref<625x160xf32, #tpu.memory_space<vmem>>, vector<625x160xf32>
      tpu.vector_store %arg6[%swap3A_9, %swap3A_10], %get3A_8 {strides = array<i32>} : memref<625x160xf32, #tpu.memory_space<vmem>>, vector<625x160xf32>,
      %get3A_12 = arith.constant 0 : index
      %get3A_13 = arith.constant 0 : index
      %get3A_14 = vector.load %arg3[%get3A_12, %get3A_13] : memref<625x160xf32, #tpu.memory_space<vmem>>, vector<625x160xf32>
      %swap3A_15 = arith.constant 0 : index
      %swap3A_16 = arith.constant 0 : index
      %swap3A_17 = vector.load %arg7[%swap3A_15, %swap3A_16] : memref<625x160xf32, #tpu.memory_space<vmem>>, vector<625x160xf32>
      tpu.vector_store %arg7[%swap3A_15, %swap3A_16], %get3A_14 {strides = array<i32>} : memref<625x160xf32, #tpu.memory_space<vmem>>, vector<625x160xf32>,
      %get3A_18 = arith.constant 0 : index
      %get3A_19 = arith.constant 0 : index
      %get3A_20 = vector.load %arg4[%get3A_18, %get3A_19] : memref<625x160xi32, #tpu.memory_space<vmem>>, vector<625x160xi32>
      %swap3A_21 = arith.constant 0 : index
      %swap3A_22 = arith.constant 0 : index
      %swap3A_23 = vector.load %arg8[%swap3A_21, %swap3A_22] : memref<625x160xi32, #tpu.memory_space<vmem>>, vector<625x160xi32>
      tpu.vector_store %arg8[%swap3A_21, %swap3A_22], %get3A_20 {strides = array<i32>} : memref<625x160xi32, #tpu.memory_space<vmem>>, vector<625x160xi32>,
    } else {
    }
    return
  }
  func.func @transform_0(%arg0: i32) -> (i32, i32) {
    %c0_i32 = arith.constant 0 : i32
    %c0_i32_0 = arith.constant 0 : i32
    return %arg0, %c0_i32 : i32, i32
  }
  func.func @transform_1(%arg0: i32) -> (i32, i32) {
    %c0_i32 = arith.constant 0 : i32
    %c0_i32_0 = arith.constant 0 : i32
    %c0_i32_1 = arith.constant 0 : i32
    return %c0_i32, %c0_i32_0 : i32, i32
  }
  func.func @transform_2(%arg0: i32) -> (i32, i32) {
    %c0_i32 = arith.constant 0 : i32
    %c0_i32_0 = arith.constant 0 : i32
    %c0_i32_1 = arith.constant 0 : i32
    return %c0_i32, %c0_i32_0 : i32, i32
  }
  func.func @transform_3(%arg0: i32) -> (i32, i32) {
    %c0_i32 = arith.constant 0 : i32
    %c0_i32_0 = arith.constant 0 : i32
    %c0_i32_1 = arith.constant 0 : i32
    return %c0_i32, %c0_i32_0 : i32, i32
  }
  func.func @transform_4(%arg0: i32) -> (i32, i32) {
    %c0_i32 = arith.constant 0 : i32
    %c0_i32_0 = arith.constant 0 : i32
    return %arg0, %c0_i32 : i32, i32
  }
  func.func @transform_5(%arg0: i32) -> (i32, i32) {
    %c0_i32 = arith.constant 0 : i32
    %c0_i32_0 = arith.constant 0 : i32
    %c0_i32_1 = arith.constant 0 : i32
    return %c0_i32, %c0_i32_0 : i32, i32
  }
  func.func @transform_6(%arg0: i32) -> (i32, i32) {
    %c0_i32 = arith.constant 0 : i32
    %c0_i32_0 = arith.constant 0 : i32
    %c0_i32_1 = arith.constant 0 : i32
    return %c0_i32, %c0_i32_0 : i32, i32
  }
  func.func @transform_7(%arg0: i32) -> (i32, i32) {
    %c0_i32 = arith.constant 0 : i32
    %c0_i32_0 = arith.constant 0 : i32
    %c0_i32_1 = arith.constant 0 : i32
    return %c0_i32, %c0_i32_0 : i32, i32
  }
}

module attributes {stable_mosaic.version = 14 : i64} {
  func.func @_flags_body(%arg0: i32, %arg1: memref<128x1xf32, #tpu.memory_space<vmem>>, %arg2: memref<128x1xf32, #tpu.memory_space<vmem>>, %arg3: memref<128x1xf32, #tpu.memory_space<vmem>>, %arg4: memref<1x4096xf32, #tpu.memory_space<vmem>>, %arg5: memref<1x4096xf32, #tpu.memory_space<vmem>>, %arg6: memref<1x4096xf32, #tpu.memory_space<vmem>>, %arg7: memref<128x1xi32, #tpu.memory_space<vmem>>) attributes {dimension_semantics = [#tpu.dimension_semantics<arbitrary>], iteration_bounds = array<i64: 32>, scalar_prefetch = 0 : i64, scratch_operands = 0 : i64, tpu.core_type = #tpu.core_type<tc>, window_params = [{transform_indices = @transform_0, window_bounds = array<i64: 128, 1>}, {transform_indices = @transform_1, window_bounds = array<i64: 128, 1>}, {transform_indices = @transform_2, window_bounds = array<i64: 128, 1>}, {pipeline_mode = #tpu.pipeline_mode<synchronous>, transform_indices = @transform_3, window_bounds = array<i64: 1, 4096>}, {pipeline_mode = #tpu.pipeline_mode<synchronous>, transform_indices = @transform_4, window_bounds = array<i64: 1, 4096>}, {pipeline_mode = #tpu.pipeline_mode<synchronous>, transform_indices = @transform_5, window_bounds = array<i64: 1, 4096>}, {transform_indices = @transform_6, window_bounds = array<i64: 128, 1>}]} {
    %get3A = arith.constant 0 : index
    %get3A_0 = arith.constant 0 : index
    %get3A_1 = vector.load %arg1[%get3A, %get3A_0] : memref<128x1xf32, #tpu.memory_space<vmem>>, vector<128x1xf32>
    %get3A_2 = arith.constant 0 : index
    %get3A_3 = arith.constant 0 : index
    %get3A_4 = vector.load %arg2[%get3A_2, %get3A_3] : memref<128x1xf32, #tpu.memory_space<vmem>>, vector<128x1xf32>
    %get3A_5 = arith.constant 0 : index
    %get3A_6 = arith.constant 0 : index
    %get3A_7 = vector.load %arg3[%get3A_5, %get3A_6] : memref<128x1xf32, #tpu.memory_space<vmem>>, vector<128x1xf32>
    %get3A_8 = arith.constant 0 : index
    %get3A_9 = arith.constant 0 : index
    %get3A_10 = vector.load %arg4[%get3A_8, %get3A_9] : memref<1x4096xf32, #tpu.memory_space<vmem>>, vector<1x4096xf32>
    %get3A_11 = arith.constant 0 : index
    %get3A_12 = arith.constant 0 : index
    %get3A_13 = vector.load %arg5[%get3A_11, %get3A_12] : memref<1x4096xf32, #tpu.memory_space<vmem>>, vector<1x4096xf32>
    %get3A_14 = arith.constant 0 : index
    %get3A_15 = arith.constant 0 : index
    %get3A_16 = vector.load %arg6[%get3A_14, %get3A_15] : memref<1x4096xf32, #tpu.memory_space<vmem>>, vector<1x4096xf32>
    %lt3A = vector.broadcast %get3A_4 : vector<128x1xf32> to vector<128x4096xf32>
    %lt3A_17 = vector.broadcast %get3A_13 : vector<1x4096xf32> to vector<128x4096xf32>
    %lt3A_18 = arith.cmpf olt, %lt3A, %lt3A_17 : vector<128x4096xf32>
    %eq3A = vector.broadcast %get3A_4 : vector<128x1xf32> to vector<128x4096xf32>
    %eq3A_19 = vector.broadcast %get3A_13 : vector<1x4096xf32> to vector<128x4096xf32>
    %eq3A_20 = arith.cmpf oeq, %eq3A, %eq3A_19 : vector<128x4096xf32>
    %eq3A_21 = arith.constant 0.000000e+00 : f32
    %eq3A_22 = vector.broadcast %eq3A_21 : f32 to vector<1x4096xf32>
    %eq3A_23 = arith.cmpf oeq, %get3A_16, %eq3A_22 : vector<1x4096xf32>
    %and3A = vector.broadcast %eq3A_23 : vector<1x4096xi1> to vector<128x4096xi1>
    %and3A_24 = arith.andi %eq3A_20, %and3A : vector<128x4096xi1>
    %or3A = arith.ori %lt3A_18, %and3A_24 : vector<128x4096xi1>
    %lt3A_25 = vector.broadcast %get3A_1 : vector<128x1xf32> to vector<128x4096xf32>
    %lt3A_26 = vector.broadcast %get3A_10 : vector<1x4096xf32> to vector<128x4096xf32>
    %lt3A_27 = arith.cmpf olt, %lt3A_25, %lt3A_26 : vector<128x4096xf32>
    %and3A_28 = arith.andi %or3A, %lt3A_27 : vector<128x4096xi1>
    %lt3A_29 = vector.broadcast %get3A_13 : vector<1x4096xf32> to vector<128x4096xf32>
    %lt3A_30 = vector.broadcast %get3A_4 : vector<128x1xf32> to vector<128x4096xf32>
    %lt3A_31 = arith.cmpf olt, %lt3A_29, %lt3A_30 : vector<128x4096xf32>
    %eq3A_32 = vector.broadcast %get3A_13 : vector<1x4096xf32> to vector<128x4096xf32>
    %eq3A_33 = vector.broadcast %get3A_4 : vector<128x1xf32> to vector<128x4096xf32>
    %eq3A_34 = arith.cmpf oeq, %eq3A_32, %eq3A_33 : vector<128x4096xf32>
    %eq3A_35 = arith.constant 0.000000e+00 : f32
    %eq3A_36 = vector.broadcast %eq3A_35 : f32 to vector<128x1xf32>
    %eq3A_37 = arith.cmpf oeq, %get3A_7, %eq3A_36 : vector<128x1xf32>
    %and3A_38 = vector.broadcast %eq3A_37 : vector<128x1xi1> to vector<128x4096xi1>
    %and3A_39 = arith.andi %eq3A_34, %and3A_38 : vector<128x4096xi1>
    %or3A_40 = arith.ori %lt3A_31, %and3A_39 : vector<128x4096xi1>
    %lt3A_41 = vector.broadcast %get3A_10 : vector<1x4096xf32> to vector<128x4096xf32>
    %lt3A_42 = vector.broadcast %get3A_1 : vector<128x1xf32> to vector<128x4096xf32>
    %lt3A_43 = arith.cmpf olt, %lt3A_41, %lt3A_42 : vector<128x4096xf32>
    %and3A_44 = arith.andi %or3A_40, %lt3A_43 : vector<128x4096xi1>
    %ne3A = arith.constant 0.000000e+00 : f32
    %ne3A_45 = vector.broadcast %ne3A : f32 to vector<1x4096xf32>
    %ne3A_46 = arith.cmpf one, %get3A_16, %ne3A_45 : vector<1x4096xf32>
    %and3A_47 = vector.broadcast %ne3A_46 : vector<1x4096xi1> to vector<128x4096xi1>
    %and3A_48 = arith.andi %and3A_44, %and3A_47 : vector<128x4096xi1>
    %reduce_or3A = arith.constant 1.000000e+00 : f32
    %reduce_or3A_49 = arith.constant 0.000000e+00 : f32
    %reduce_or3A_50 = vector.broadcast %reduce_or3A : f32 to vector<128x4096xf32>
    %reduce_or3A_51 = vector.broadcast %reduce_or3A_49 : f32 to vector<128x4096xf32>
    %reduce_or3A_52 = arith.select %and3A_28, %reduce_or3A_50, %reduce_or3A_51 : vector<128x4096xi1>, vector<128x4096xf32>
    %reduce_or3A_53 = arith.constant dense<0xFF800000> : vector<128xf32>
    %reduce_or3A_54 = vector.multi_reduction <maximumf>, %reduce_or3A_52, %reduce_or3A_53 [1] : vector<128x4096xf32> to vector<128xf32>
    %reduce_or3A_55 = arith.constant 0.000000e+00 : f32
    %reduce_or3A_56 = vector.broadcast %reduce_or3A_55 : f32 to vector<128xf32>
    %reduce_or3A_57 = arith.cmpf ogt, %reduce_or3A_54, %reduce_or3A_56 : vector<128xf32>
    %broadcast_in_dim3A = vector.shape_cast %reduce_or3A_57 : vector<128xi1> to vector<128x1xi1>
    %reduce_or3A_58 = arith.constant 1.000000e+00 : f32
    %reduce_or3A_59 = arith.constant 0.000000e+00 : f32
    %reduce_or3A_60 = vector.broadcast %reduce_or3A_58 : f32 to vector<128x4096xf32>
    %reduce_or3A_61 = vector.broadcast %reduce_or3A_59 : f32 to vector<128x4096xf32>
    %reduce_or3A_62 = arith.select %and3A_48, %reduce_or3A_60, %reduce_or3A_61 : vector<128x4096xi1>, vector<128x4096xf32>
    %reduce_or3A_63 = arith.constant dense<0xFF800000> : vector<128xf32>
    %reduce_or3A_64 = vector.multi_reduction <maximumf>, %reduce_or3A_62, %reduce_or3A_63 [1] : vector<128x4096xf32> to vector<128xf32>
    %reduce_or3A_65 = arith.constant 0.000000e+00 : f32
    %reduce_or3A_66 = vector.broadcast %reduce_or3A_65 : f32 to vector<128xf32>
    %reduce_or3A_67 = arith.cmpf ogt, %reduce_or3A_64, %reduce_or3A_66 : vector<128xf32>
    %broadcast_in_dim3A_68 = vector.shape_cast %reduce_or3A_67 : vector<128xi1> to vector<128x1xi1>
    %ne3A_69 = arith.constant 0.000000e+00 : f32
    %ne3A_70 = vector.broadcast %ne3A_69 : f32 to vector<128x1xf32>
    %ne3A_71 = arith.cmpf one, %get3A_7, %ne3A_70 : vector<128x1xf32>
    %and3A_72 = arith.andi %ne3A_71, %broadcast_in_dim3A : vector<128x1xi1>
    %or3A_73 = arith.ori %and3A_72, %broadcast_in_dim3A_68 : vector<128x1xi1>
    %convert_element_type3A = arith.extui %or3A_73 : vector<128x1xi1> to vector<128x1xi32>
    %swap3A = arith.constant 0 : index
    %swap3A_74 = arith.constant 0 : index
    %swap3A_75 = vector.load %arg7[%swap3A, %swap3A_74] : memref<128x1xi32, #tpu.memory_space<vmem>>, vector<128x1xi32>
    tpu.vector_store %arg7[%swap3A, %swap3A_74], %convert_element_type3A {strides = array<i32>} : memref<128x1xi32, #tpu.memory_space<vmem>>, vector<128x1xi32>,
    return
  }
  func.func @transform_0(%arg0: i32) -> (i32, i32) {
    %c0_i32 = arith.constant 0 : i32
    %c0_i32_0 = arith.constant 0 : i32
    return %arg0, %c0_i32 : i32, i32
  }
  func.func @transform_1(%arg0: i32) -> (i32, i32) {
    %c0_i32 = arith.constant 0 : i32
    %c0_i32_0 = arith.constant 0 : i32
    return %arg0, %c0_i32 : i32, i32
  }
  func.func @transform_2(%arg0: i32) -> (i32, i32) {
    %c0_i32 = arith.constant 0 : i32
    %c0_i32_0 = arith.constant 0 : i32
    return %arg0, %c0_i32 : i32, i32
  }
  func.func @transform_3(%arg0: i32) -> (i32, i32) {
    %c0_i32 = arith.constant 0 : i32
    %c0_i32_0 = arith.constant 0 : i32
    %c0_i32_1 = arith.constant 0 : i32
    return %c0_i32, %c0_i32_0 : i32, i32
  }
  func.func @transform_4(%arg0: i32) -> (i32, i32) {
    %c0_i32 = arith.constant 0 : i32
    %c0_i32_0 = arith.constant 0 : i32
    %c0_i32_1 = arith.constant 0 : i32
    return %c0_i32, %c0_i32_0 : i32, i32
  }
  func.func @transform_5(%arg0: i32) -> (i32, i32) {
    %c0_i32 = arith.constant 0 : i32
    %c0_i32_0 = arith.constant 0 : i32
    %c0_i32_1 = arith.constant 0 : i32
    return %c0_i32, %c0_i32_0 : i32, i32
  }
  func.func @transform_6(%arg0: i32) -> (i32, i32) {
    %c0_i32 = arith.constant 0 : i32
    %c0_i32_0 = arith.constant 0 : i32
    return %arg0, %c0_i32 : i32, i32
  }
}

</mosaic_0001>

<sc_bundles>
// kernel: kernel.5.cloned.1.call-start
scs
__scs_entry_jumppad:
0x0: {  	(pc) =	sbr.rel $0x88, $3  }
0x1: {  	(tag) =	ssettag $0x0;
	lr =	simm.s32 $0x1  }
0x2: {  	[smem:$0x3F96] =	sst lr;
	_ =	strace $0xD0000000  }
0x3: {  	_ = 	snop  }
0x4: {  	_ = 	snop  }
0x5: {  	_ = 	snop  }
0x6: {  	_ = 	snop  }
0x7: {  	_ = 	snop  }
__scs_overlays_trampoline_lowered:
0x8: {  	[smem:$0x3FA5] =	sst s0  }
0x9: {  	[smem:$0x3FA6] =	sst s1  }
0xa: {  	[smem:$0x3FA7] =	sst s2  }
0xb: {  	[smem:$0x3FA8] =	sst s3  }
0xc: {  	[smem:$0x3FA9] =	sst s4  }
0xd: {  	[smem:$0x3FAA] =	sst s5  }
0xe: {  	[smem:$0x3FAB] =	sst s6  }
0xf: {  	[smem:$0x3FAC] =	sst s7  }
0x10: {  	[smem:$0x3FAD] =	sst s8  }
0x11: {  	[smem:$0x3FAE] =	sst s9;
	s0 =	simm.s32 @!p0 $0x0  }
0x12: {  	s1 =	sld [smem:$0x3F94];
	s0 =	simm.s32 @p0 $0x1  }
0x13: {  	[smem:$0x3FAF] =	sst s0;
	s0 =	simm.s32 @!p1 $0x0  }
0x14: {  	s2 =	sld [smem:$0x3F93];
	s0 =	simm.s32 @p1 $0x1  }
0x15: {  	[smem:$0x3FB0] =	sst s0;
	s0 =	simm.s32 @!p2 $0x0  }
0x16: {  	s3 =	sld [smem:$0x3FDB];
	s0 =	simm.s32 @p2 $0x1  }
0x17: {  	s4 =	simm.s32 $0x1BF5;
	[smem:$0x3FB2] =	sst s0  }
0x18: {  	s0 =	sld [smem:$0x3F95];
	_ =	swait.ge [sflag:s4], $0x0  }
0x19: {  	s7 =	sld [smem:$0x3F96]  }
0x1a: {  	s8 =	sadd.s32 $0xFFFFE003, lr  }
0x1b: {  	s9 =	sadd.s32 $0xFFFFFEF7, lr;
	s5 =	simm.s32 $0xFFFFFFFF;
	p2 =	slt.u32 s8, $0xFFFFF086  }
0x1c: {  	p1 =	slt.u32 s9, $0xF7A;
	s5 =	simm.s32 @!p2 $0x0  }
0x1d: {  	s5 =	simm.s32 @p1 $0x1;
	p0 =	seq.s32 s7, s2  }
0x1e: {  	s7 =	smul.u32 @!p0 $0xF7A, s2;
	p2 =	seq.s32 @!p0 s5, $0x0  }
0x1f: {  	s9 =	smul.u32 $0xF7A, s1;
	s8 =	simm.s32 @!p0 $0x1BF5;
	p2 =	por !p2, p0  }
0x20: {  	[sflag:s8] =	ssyncset.s32 @!p0 $0xFFFFF086;
	s6 =	sadd.s32 @!p0 s3, s7;
	s7 =	simm.s32 @!p0 $0x108  }
0x21: {  	s3 =	sadd.s32 s3, s9;
	s6 =	sadd.s32 @!p0 $0x88, s6;
	s7 =	simm.s32 @p2 $0x1082  }
0x22: {  	[simem:s7], [sflag:s8] =	dma.local @!p0 [hbm:s6], $0xF7A  }
0x23: {  	s9 =	sor.u32 $0xD0000000, s2;
	s6 =	simm.s32 $0x108;
	_ =	swait.ge @!p0 [sflag:s8], $0x0  }
0x24: {  	s3 =	sadd.s32 $0x88, s3;
	s6 =	simm.s32 @!p1 $0x1082;
	[sflag:s4] =	ssyncset.s32 $0xFFFFF086  }
0x25: {  	[simem:s6], [sflag:s4] =	dma.local [hbm:s3], $0xF7A  }
0x26: {  	[smem:$0x3F96] =	sst s1;
	(tag) =	ssettag s2;
	_ =	strace s9  }
0x27: {  	s1 =	sld [smem:$0x3FA6]  }
0x28: {  	s2 =	sld [smem:$0x3FA7]  }
0x29: {  	s4 =	sld [smem:$0x3FA9]  }
0x2a: {  	p0 =	seq.s32 s5, $0x0;
	s5 =	sld [smem:$0x3FAA]  }
0x2b: {  	s6 =	sld [smem:$0x3FAB]  }
0x2c: {  	s7 =	sld [smem:$0x3FAC]  }
0x2d: {  	s3 =	simm.s32 $0x108;
	s8 =	sld [smem:$0x3FAD]  }
0x2e: {  	s3 =	simm.s32 @!p0 $0x1082;
	s9 =	sld [smem:$0x3FAE]  }
0x2f: {  	lr =	sadd.s32 s0, s3;
	s0 =	sld [smem:$0x3FA5]  }
0x30: {  	s3 =	sld [smem:$0x3FA8]  }
0x31: {  	[smem:$0x3FB1] =	sst s10  }
0x32: {  	s10 =	sld [smem:$0x3FAF];
	_ =	sdelay $0x3  }
0x33: {  	p0 =	seq.s32 s10, $0x1;
	s10 =	sld [smem:$0x3FB1];
	_ =	sdelay $0x3  }
0x34: {  	[smem:$0x3FB1] =	sst s10  }
0x35: {  	s10 =	sld [smem:$0x3FB0];
	_ =	sdelay $0x3  }
0x36: {  	p1 =	seq.s32 s10, $0x1;
	s10 =	sld [smem:$0x3FB1];
	_ =	sdelay $0x3  }
0x37: {  	[smem:$0x3FB1] =	sst s10  }
0x38: {  	s10 =	sld [smem:$0x3FB2]  }
0x39: {  	_ = 	snop;
	(pc) =	sbr.ind lr, $3  }
0x3a: {  	_ = 	snop  }
0x3b: {  	_ = 	snop  }
0x3c: {  	p2 =	seq.s32 s10, $0x1;
	s10 =	sld [smem:$0x3FB1]  }
0x3d: {  	_ =	shalt  }
0x3e: {  	_ =	shalt  }
0x3f: {  	_ =	shalt  }
0x40: {  	_ =	shalt  }
0x41: {  	_ =	shalt  }
0x42: {  	_ =	shalt  }
0x43: {  	_ =	shalt  }
0x44: {  	_ =	shalt  }
0x45: {  	_ =	shalt  }
0x46: {  	_ =	shalt  }
0x47: {  	_ =	shalt  }
0x48: {  	_ =	shalt  }
0x49: {  	_ =	shalt  }
0x4a: {  	_ =	shalt  }
0x4b: {  	_ =	shalt  }
0x4c: {  	_ =	shalt  }
0x4d: {  	_ =	shalt  }
0x4e: {  	_ =	shalt  }
0x4f: {  	_ =	shalt  }
0x50: {  	_ =	shalt  }
0x51: {  	_ =	shalt  }
0x52: {  	_ =	shalt  }
0x53: {  	_ =	shalt  }
0x54: {  	_ =	shalt  }
0x55: {  	_ =	shalt  }
0x56: {  	_ =	shalt  }
0x57: {  	_ =	shalt  }
0x58: {  	_ =	shalt  }
0x59: {  	_ =	shalt  }
0x5a: {  	_ =	shalt  }
0x5b: {  	_ =	shalt  }
0x5c: {  	_ =	shalt  }
0x5d: {  	_ =	shalt  }
0x5e: {  	_ =	shalt  }
0x5f: {  	_ =	shalt  }
0x60: {  	_ =	shalt  }
0x61: {  	_ =	shalt  }
0x62: {  	_ =	shalt  }
0x63: {  	_ =	shalt  }
0x64: {  	_ =	shalt  }
0x65: {  	_ =	shalt  }
0x66: {  	_ =	shalt  }
0x67: {  	_ =	shalt  }
0x68: {  	_ =	shalt  }
0x69: {  	_ =	shalt  }
0x6a: {  	_ =	shalt  }
0x6b: {  	_ =	shalt  }
0x6c: {  	_ =	shalt  }
0x6d: {  	_ =	shalt  }
0x6e: {  	_ =	shalt  }
0x6f: {  	_ =	shalt  }
0x70: {  	_ =	shalt  }
0x71: {  	_ =	shalt  }
0x72: {  	_ =	shalt  }
0x73: {  	_ =	shalt  }
0x74: {  	_ =	shalt  }
0x75: {  	_ =	shalt  }
0x76: {  	_ =	shalt  }
0x77: {  	_ =	shalt  }
0x78: {  	_ =	shalt  }
0x79: {  	_ =	shalt  }
0x7a: {  	_ =	shalt  }
0x7b: {  	_ =	shalt  }
0x7c: {  	_ =	shalt  }
0x7d: {  	_ =	shalt  }
0x7e: {  	_ =	shalt  }
0x7f: {  	_ =	shalt  }
0x80: {  	_ =	shalt  }
0x81: {  	_ =	shalt  }
0x82: {  	_ =	shalt  }
0x83: {  	_ =	shalt  }
0x84: {  	_ =	shalt  }
0x85: {  	_ =	shalt  }
0x86: {  	_ =	shalt  }
0x87: {  	_ =	shalt  }
.Lfunc_end0:
.L_simem_size_0:
called_computation_lowered:
.L_overlay_start_0:
0x88: {  	s2 =	sld [smem:$0x3FD9]  }
0x89: {  	s3 =	sld [smem:$0x3FFE];
	_ =	sdelay $0x1  }
0x8a: {  	s1 =	srdreg.scid  }
0x8b: {  	s0 =	sand.u32 $0x1, s1  }
0x8c: {  	s23 =	sshll.u32 s0, $0xA;
	s2 =	sadd.s32 s3, s2  }
0x8d: {  	s2 =	sadd.s32 s2, s23  }
0x8e: {  	[smem:$0x3FBD] =	sst s2  }
0x8f: {  	_ = 	snop  }
0x90: {  	s2 =	sld [smem:$0x3FC8]  }
0x91: {  	s3 =	sld [smem:$0x3FC7]  }
0x92: {  	s4 =	sld [smem:$0x3FC6]  }
0x93: {  	s5 =	sld [smem:$0x3FC5]  }
0x94: {  	s6 =	sld [smem:$0x3FC4]  }
0x95: {  	s10 =	sld [smem:$0x3FD0]  }
0x96: {  	s7 =	sld [smem:$0x3FC3]  }
0x97: {  	s8 =	sld [smem:$0x3FC2]  }
0x98: {  	s15 =	simm.s32 $0xA;
	s11 =	simm.s32 $0x10;
	s9 =	sld [smem:$0x3FC1]  }
0x99: {  	[smem:s11], [sflag:s15] =	dma.local [hbm:s10], $0x1  }
0x9a: {  	_ =	swait.eq [sflag:s15], $0x1  }
0x9b: {  	s10 =	sld [smem:$0x10]  }
0x9c: {  	s11 =	sld [smem:$0x11]  }
0x9d: {  	s12 =	sld [smem:$0x12]  }
0x9e: {  	s13 =	sld [smem:$0x13];
	[sflag:s15] =	ssyncset.done $0x0  }
0x9f: {  	s14 =	sld [smem:$0x14];
	[sflag:s15] =	ssyncadd.s32 $0xFFFFFFFF  }
0xa0: {  	s16 =	sld [smem:$0x15];
	(tm) =	ssettm $0x1  }
0xa1: {  	s24 =	sld [smem:$0x3FFB];
	_ =	sdelay $0x3  }
0xa2: {  	_ =	strace s24  }
0xa3: {  	s15 =	sld [smem:$0x3FFC];
	_ =	sdelay $0x3  }
0xa4: {  	_ =	strace s15  }
0xa5: {  	s15 =	sld [smem:$0x3FFD];
	_ =	sdelay $0x3  }
0xa6: {  	_ =	strace s15  }
0xa7: {  	_ =	strace $0x8FFFFFFF  }
0xa8: {  	s25 =	sld [smem:$0x3FDB];
	_ =	sdelay $0x1  }
0xa9: {  	s17 =	simm.s32 $_scs_section_size  }
0xaa: {  	s18 =	simm.s32 $_size__tile_task_arg_handler_lowered;
	s19 =	simm.s32 $_tile_task_arg_handler_lowered  }
0xab: {  	s29 =	simm.s32 $0x1BFF;
	s28 =	sshll.u32 s19, $0x1;
	s17 =	sadd.s32 s17, s25  }
0xac: {  	s20 =	simm.s32 $0x60;
	s26 =	sshll.u32 s18, $0x1;
	s18 =	sadd.s32 s28, s17  }
0xad: {  	[timem:s20], [sflag:s29] =	dma.local [hbm:s18], s26  }
0xae: {  	_ =	swait.ge [sflag:s29], s26  }
0xaf: {  	s30 =	simm.s32 $_tile_overlayer_lowered;
	s15 =	ssub.s32 $0x0, s26;
	[sflag:s29] =	ssyncset.done $0x0  }
0xb0: {  	s31 =	simm.s32 $_size__tile_overlayer_lowered;
	s18 =	sshll.u32 s30, $0x1;
	[sflag:s29] =	ssyncadd.s32 s15  }
0xb1: {  	s21 =	simm.s32 $0x0;
	s18 =	sadd.s32 s18, s17;
	s15 =	sshll.u32 s31, $0x1  }
0xb2: {  	[timem:s21], [sflag:s29] =	dma.local [hbm:s18], s15  }
0xb3: {  	_ =	swait.ge [sflag:s29], s15  }
0xb4: {  	s22 =	ssub.s32 $0x0, s15;
	[sflag:s29] =	ssyncset.done $0x0  }
0xb5: {  	[sflag:s29] =	ssyncadd.s32 s22;
	_ =	sdelay $0x1  }
0xb6: {  	s23 =	simm.s32 $0x1B8B  }
0xb7: {  	_ =	swait.ge [sflag:s23], $0x1  }
0xb8: {  	[sflag:s23] =	ssyncset.done $0x0  }
0xb9: {  	s25 =	simm.s32 $0x1B8E;
	s24 =	sld [smem:$0x3FFE];
	[sflag:s23] =	ssyncadd.s32 $0xFFFFFFFF  }
0xba: {  	s26 =	simm.s32 $execute0_lowered;
	[smem:$0x3FD2] =	sst s25  }
0xbb: {  	s19 =	sshll.u32 s26, $0x1;
	_ =	strace $0x80000046;
	[dreg:$0x1] =	wrdreg $0xFFFFFFFF  }
0xbc: {  	s28 =	simm.s32 $_size_execute0_lowered;
	s17 =	sadd.s32 s17, s19;
	[dreg:$0x0] =	wrdreg $0x0  }
0xbd: {  	s19 =	sshll.u32 s28, $0x1;
	[dreg:$0x2] =	wrdreg s17  }
0xbe: {  	[dreg:$0x3] =	wrdreg s19  }
0xbf: {  	[dreg:$0x4] =	wrdreg $0xC0  }
0xc0: {  	_ =	task [dreg:s21], $0x5FFFF  }
0xc1: {  	[dreg:$0x1] =	wrdreg $0xFFFFFFFF  }
0xc2: {  	[dreg:$0x0] =	wrdreg $0x30  }
0xc3: {  	[dreg:$0x2] =	wrdreg $0x0  }
0xc4: {  	[dreg:$0x3] =	wrdreg s16  }
0xc5: {  	[dreg:$0x4] =	wrdreg $0x9  }
0xc6: {  	_ =	task [dreg:s21], $0x5FFFF  }
0xc7: {  	[dreg:$0x1] =	wrdreg $0xFFFFFFFF  }
0xc8: {  	[dreg:$0x0] =	wrdreg $0x60  }
0xc9: {  	[dreg:$0x2] =	wrdreg s24  }
0xca: {  	[dreg:$0x3] =	wrdreg s2  }
0xcb: {  	[dreg:$0x4] =	wrdreg s3  }
0xcc: {  	[dreg:$0x5] =	wrdreg s4  }
0xcd: {  	[dreg:$0x6] =	wrdreg s5  }
0xce: {  	[dreg:$0x7] =	wrdreg s6  }
0xcf: {  	[dreg:$0x8] =	wrdreg s7  }
0xd0: {  	[dreg:$0x9] =	wrdreg s8  }
0xd1: {  	[dreg:$0xa] =	wrdreg s9  }
0xd2: {  	[dreg:$0xb] =	wrdreg s10  }
0xd3: {  	[dreg:$0xc] =	wrdreg s11  }
0xd4: {  	[dreg:$0xd] =	wrdreg s12  }
0xd5: {  	[dreg:$0xe] =	wrdreg s13  }
0xd6: {  	[dreg:$0xf] =	wrdreg s14  }
0xd7: {  	_ =	task.clear_ibuf [dreg:s21], $0x10FFFF;
	_ =	strace $0x90000046  }
0xd8: {  	s29 =	simm.s32 $0x9;
	_ =	strace $0x80000048  }
0xd9: {  	_ =	swait.ge [sflag:s29], $0x1  }
0xda: {  	[sflag:s29] =	ssyncadd.s32 $0xFFFFFFFF  }
0xdb: {  	_ =	strace $0x90000048  }
0xdc: {  	_ =	sfence  }
0xdd: {  	s30 =	sld [smem:$0x0];
	_ =	sdelay $0x2  }
0xde: {  	s31 =	sshll.u32 s1, $0xD;
	s1 =	sshrl.u32 s1, $0x2  }
0xdf: {  	s3 =	sand.u32 $0x4000, s31;
	s1 =	sadd.s32 s1, s30  }
0xe0: {  	s0 =	sor.u32 s3, s0;
	s1 =	sshll.u32 s1, $0x11  }
0xe1: {  	s0 =	sor.u32 s1, s0  }
0xe2: {  	s0 =	sadd.s32 $0x8F2B, s0  }
0xe3: {  	[sflag:s0] =	ssyncadd.remote.s32 $0x1  }
0xe4: {  	_ =	sfence.sel $0xFFFF  }
0xe5: {  	[dreg:$0x0] =	wrdreg $0xFFFFFFFF;
	(pc) =	sbr.abs _section_cstart, $3  }
0xe6: {  	[dreg:$0x1] =	wrdreg $0xFFFFFFFF  }
0xe7: {  	_ =	task.clear_ibuf [dreg:s21], $0x2FFFF;
	_ =	strace $0x9FFFFFFF  }
0xe8: {  	(tm) =	ssettm $0x7FFFFFFF  }
0xe9: {  	_ =	shalt  }
tec
_tile_task_arg_handler_lowered:
.L_overlay_start_1:
0x0: {  	(tag) =	ssettag $0x1  }
0x1: {  	s0 =	rddreg [dreg:$0x0]  }
0x2: {  	s1 =	rddreg [dreg:$0x1]  }
0x3: {  	s2 =	rddreg [dreg:$0x2]  }
0x4: {  	s3 =	rddreg [dreg:$0x3]  }
0x5: {  	s4 =	rddreg [dreg:$0x4]  }
0x6: {  	s5 =	rddreg [dreg:$0x5]  }
0x7: {  	s6 =	rddreg [dreg:$0x6]  }
0x8: {  	s7 =	rddreg [dreg:$0x7]  }
0x9: {  	s8 =	rddreg [dreg:$0x8]  }
0xa: {  	s9 =	rddreg [dreg:$0x9]  }
0xb: {  	s10 =	rddreg [dreg:$0xa]  }
0xc: {  	s11 =	rddreg [dreg:$0xb]  }
0xd: {  	s12 =	rddreg [dreg:$0xc]  }
0xe: {  	s13 =	rddreg [dreg:$0xd]  }
0xf: {  	[smem:s0] =	sst s1  }
0x10: {  	[smem:s0+$0x1] =	sst s2  }
0x11: {  	[smem:s0+$0x2] =	sst s3  }
0x12: {  	[smem:s0+$0x3] =	sst s4  }
0x13: {  	[smem:s0+$0x4] =	sst s5  }
0x14: {  	[smem:s0+$0x5] =	sst s6  }
0x15: {  	[smem:s0+$0x6] =	sst s7  }
0x16: {  	[smem:s0+$0x7] =	sst s8  }
0x17: {  	[smem:s0+$0x8] =	sst s9  }
0x18: {  	[smem:s0+$0x9] =	sst s10  }
0x19: {  	[smem:s0+$0xA] =	sst s11  }
0x1a: {  	[smem:s0+$0xB] =	sst s12  }
0x1b: {  	[smem:s0+$0xC] =	sst s13;
	_ =	shalt  }
.Lfunc_end2:
execute0_lowered:
.L_overlay_start_2:
0x1c: {  	(tag) =	ssettag $0x2  }
0x1d: {  	s0 =	rddreg [dreg:$0x0]  }
0x1e: {  	s1 =	rddreg [dreg:$0x1]  }
0x1f: {  	s2 =	rddreg [dreg:$0x2]  }
0x20: {  	s3 =	rddreg [dreg:$0x3]  }
0x21: {  	s4 =	rddreg [dreg:$0x4];
	s9 =	simm.s32 $0x0  }
0x22: {  	[smem:$0x7FF] =	sst s9  }
0x23: {  	s5 =	sld [smem:$0x0]  }
0x24: {  	s15 =	sld [smem:$0x1]  }
0x25: {  	s16 =	srdreg.scid;
	s10 =	stileid.u32;
	s6 =	sadd.s32 $0xE00, s0  }
0x26: {  	s7 =	sadd.s32 $0x1000, s0;
	s0 =	sadd.s32 $0x1200, s0;
	[dreg:$0x10] =	wrdreg s5  }
0x27: {  	s23 =	sshll.u32 s10, $0x3;
	s26 =	sshll.u32 s10, $0x9;
	[dreg:$0xf] =	wrdreg s15  }
0x28: {  	s5 =	sand.u32 $0x1, s16;
	_ =	strace $0x80000047;
	[dreg:$0x11] =	wrdreg s6  }
0x29: {  	s29 =	sshll.u32 s10, $0x7;
	s17 =	sshll.u32 s5, $0x4;
	[dreg:$0x12] =	wrdreg s7  }
0x2a: {  	s18 =	ssub.s32 $0x2, s5;
	[dreg:$0x13] =	wrdreg s0;
	s22 =	sshll.u32 s5, $0x7  }
0x2b: {  	s25 =	sshll.u32 s5, $0xD;
	s28 =	sshll.u32 s5, $0xB;
	s6 =	sor.u32 s10, s17  }
0x2c: {  	s5 =	simm.s32 $0x3;
	s19 =	sshrl.u32 s18, $0x1;
	s8 =	sshll.u32 s6, $0xB  }
0x2d: {  	v1 =	vimm.s32 $0xECA86420;
	s24 =	sor.u32 s23, s22;
	s20 =	sshll.u32 s6, $0x4;
	s1 =	sadd.s32 s1, s8  }
0x2e: {  	v0 =	vlaneseq.u32;
	vm0 =	vcmask $0xB08;
	vm1 =	vcmask $0x1310;
	s31 =	sor.u32 s29, s28;
	s2 =	sadd.s32 s2, s20;
	[dreg:$0x14] =	wrdreg s1  }
0x2f: {  	vm2 =	vcmask $0x1B18;
	vm3 =	vcmask $0x300;
	vm4 =	vcmask $0x2320;
	s0 =	ssub.s32 s18, s19;
	s21 =	sadd.s32 s3, s20;
	[dreg:$0x15] =	wrdreg s2  }
.Ltmp0:
0x30: {  	vm5 =	vcmask $0x2B28;
	vm6 =	vcmask $0x3330;
	vm7 =	vcmask $0x3B38;
	s0 =	smax.u32 s0, $0x1;
	[dreg:$0x16] =	wrdreg s21;
	(pc) =	sbr.rel .LBB3_1-.Ltmp0, $4  }
0x31: {  	vm8 =	vmmov $0xff;
	vm9 =	vcmask $0x704;
	vm10 =	vcmask $0xF0C;
	p0 =	seq.s32 s6, $0x0;
	s1 =	sadd.s32 s4, s20;
	[dreg:$0x18] =	wrdreg s0  }
0x32: {  	vm11 =	vcmask $0x1714;
	vm12 =	vcmask $0x1F1C;
	v2 =	vunpack.c.l.s4.s8 v1;
	s0 =	smax.u32 s24, $0x1;
	[dreg:$0x17] =	wrdreg s1;
	s1 =	sor.u32 s26, s25  }
0x33: {  	vm13 =	vcmask $0x2724;
	vm14 =	vcmask $0x2F2C;
	vm15 =	vcmask $0x3734;
	[dreg:$0x19] =	wrdreg s0;
	s30 =	sshrl.u32 s1, $0x2;
	s1 =	sor.u32 $0x1000, s31  }
0x34: {  	v3 =	vmul.u32 $0x2, v0;
	v2 =	vunpack.c.0.s8.s32 v2;
	p1 =	sne.s32 s6, $0x0;
	[dreg:$0x1a] =	wrdreg s1;
	v1 =	vmov s30;
	s1 =	simm.s32 $0x0  }
.LBB3_11:
0x35: {  	s1 =	sadd.s32 $0x1, s1;
	s0 =	rddreg [dreg:$0x18]  }
0x36: {  	p2 =	sne.s32 s1, s0  }
.Ltmp1:
0x37: {  	_ = 	snop;
	(pc) =	sbr.rel @!p2 .LBB3_12-.Ltmp1, $1  }
0x38: {  	_ =	sdelay $0x3  }
.LBB3_1:
0x39: {  	[dreg:$0x1b] =	wrdreg s1  }
0x3a: {  	s0 =	rddreg [dreg:$0x11]  }
0x3b: {  	[tilespmem:s9], [sflag:$0x3] =	stream.linear.gather [hbm4b:s0+s9], $0x1000, $0x38;
	[tilespmem:$0x9580] =	vst v63  }
0x3c: {  	_ =	swait.ge [sflag:s5], $0x1000  }
0x3d: {  	[sflag:s5] =	ssyncset.done $0x0  }
0x3e: {  	s29 =	simm.s32 $0x9400;
	s28 =	rddreg [dreg:$0x12];
	[sflag:s5] =	ssyncadd.s32 $0xFFFFF000  }
0x3f: {  	[tilespmem:s29], [sflag:$0x3] =	stream.linear.gather [hbm4b:s28+s9], $0x80, $0x38;
	[tilespmem:$0x9580] =	vst v63  }
0x40: {  	_ =	swait.ge [sflag:s5], $0x80  }
0x41: {  	s31 =	simm.s32 $0x9480;
	[sflag:s5] =	ssyncset.done $0x0  }
.Ltmp2:
0x42: {  	s30 =	rddreg [dreg:$0x13];
	[sflag:s5] =	ssyncadd.s32 $0xFFFFFF80;
	(pc) =	sbr.rel @p0 .LBB3_5-.Ltmp2, $4  }
0x43: {  	[tilespmem:s31], [sflag:$0x3] =	stream.linear.gather [hbm4b:s30+s9], $0x80, $0x38;
	[tilespmem:$0x9580] =	vst v63  }
0x44: {  	_ =	swait.ge [sflag:s5], $0x80  }
0x45: {  	[sflag:s5] =	ssyncset.done $0x0  }
0x46: {  	v4 =	vimm.s32 $0x0;
	[sflag:s5] =	ssyncadd.s32 $0xFFFFFF80  }
0x47: {  	s0 =	rddreg [dreg:$0x19]  }
0x48: {  	p2 =	sne.s32 s0, $0x1  }
.Ltmp3:
0x49: {  	_ = 	snop;
	(pc) =	sbr.rel @!p2 .LBB3_4-.Ltmp3, $2  }
0x4a: {  	_ =	sdelay $0x2  }
0x4b: {  	v5 =	vld [tilespmem:s9+$0x0];
	s1 =	simm.s32 $0x0;
	s0 =	sadd.s32 $0xFFFFFFFF, s0  }
.LBB3_3:
0x4c: {  	p2 =	sne.s32 s0, $0x1  }
.Ltmp4:
0x4d: {  	_ = 	snop;
	(pc) =	sbr.rel @p2 .LBB3_3-.Ltmp4, $3  }
0x4e: {  	_ =	sdelay $0x1  }
0x4f: {  	s0 =	sadd.s32 $0xFFFFFFFF, s0;
	s1 =	sadd.s32 $0x10, s1;
	v4 =	vadd.s32 v4, v5  }
0x50: {  	v5 =	vld [tilespmem:s1+$0x0]  }
.LBB3_4:
0x51: {  	_ =	sdelay $0x3  }
0x52: {  	v4 =	vadd.s32 v4, v5  }
.LBB3_5:
0x53: {  	(xrf0) =	vadd.scan.msk.s32 $0xffff, v4;
	_ =	sdelay $0x5  }
0x54: {  	v4, _, _ =	vpop (xrf0)  }
0x55: {  	(v2sf) =	vpush v4, $0xF;
	_ =	sdelay $0xa  }
0x56: {  	v4 =	vld [tilespmem:$0x9400];
	_ =	sdelay $0x3  }
0x57: {  	s1 =	rddreg [dreg:$0x1a];
	s0 =	spop (v2sf)  }
0x58: {  	s5 =	simm.s32 $0x0;
	v5 =	vadd.s32 v0, v4;
	[dreg:$0xe] =	wrdreg s0;
	s0 =	simm.s32 $0x0  }
.LBB3_6:
0x59: {  	v6 =	vadd.s32 s1, v5  }
0x5a: {  	(v2sf) =	vpush v6, $0xD;
	_ =	sdelay $0x1  }
0x5b: {  	(v2sf) =	vpush v6, $0xC;
	_ =	sdelay $0x1  }
0x5c: {  	(v2sf) =	vpush v6, $0xE;
	_ =	sdelay $0x1  }
0x5d: {  	(v2sf) =	vpush v6, $0xF;
	_ =	sdelay $0x1  }
0x5e: {  	(v2sf) =	vpush v6, $0x9;
	_ =	sdelay $0x1  }
0x5f: {  	(v2sf) =	vpush v6, $0x8;
	_ =	sdelay $0x1  }
0x60: {  	(v2sf) =	vpush v6, $0xA;
	_ =	sdelay $0x1  }
0x61: {  	(v2sf) =	vpush v6, $0xB  }
0x62: {  	s13 =	spop (v2sf)  }
0x63: {  	[dreg:$0x1d] =	wrdreg s1;
	(v2sf) =	vpush v6, $0x0;
	s7 =	smulhi.u32 $0x14F8B589, s13;
	s1 =	sshra.s32 s13, $0x1F  }
0x64: {  	s14 =	spop (v2sf);
	s12 =	smul.u32 $0x14F8B589, s1  }
0x65: {  	(v2sf) =	vpush v6, $0x1;
	s8 =	smulhi.u32 $0x14F8B589, s14;
	s1 =	sshra.s32 s14, $0x1F  }
0x66: {  	s15 =	sshra.s32 s0, $0x2;
	s16 =	spop (v2sf);
	s3 =	smul.u32 $0x14F8B589, s1  }
0x67: {  	[dreg:$0x1c] =	wrdreg s0;
	v7 =	vld.idx.msk [tilespmem:v1+s15+$0x0 ss:$0x1], $0xffff;
	(v2sf) =	vpush v6, $0x2;
	s0 =	smulhi.u32 $0x14F8B589, s16;
	s1 =	sshra.s32 s16, $0x1F  }
0x68: {  	s17 =	spop (v2sf);
	s24 =	smul.u32 $0x14F8B589, s1  }
0x69: {  	(v2sf) =	vpush v6, $0x3;
	s9 =	smulhi.u32 $0x14F8B589, s17;
	s1 =	sshra.s32 s17, $0x1F  }
0x6a: {  	s18 =	spop (v2sf);
	(v2sf) =	vpush v6, $0x4;
	s23 =	smul.u32 $0x14F8B589, s1  }
0x6b: {  	s10 =	smulhi.u32 $0x14F8B589, s18;
	s1 =	sshra.s32 s18, $0x1F  }
0x6c: {  	(xrf0) =	vadd.scan.msk.s32 $0xffff, v7;
	s19 =	spop (v2sf);
	(v2sf) =	vpush v6, $0x5;
	s2 =	smul.u32 $0x14F8B589, s1  }
0x6d: {  	[dreg:$0x1f] =	wrdreg s15;
	s13 =	smulhi.u32 $0x14F8B589, s19;
	s1 =	sshra.s32 s19, $0x1F  }
0x6e: {  	s20 =	spop (v2sf);
	s15 =	smul.u32 $0x14F8B589, s1  }
0x6f: {  	s4 =	rddreg [dreg:$0xe];
	(v2sf) =	vpush v6, $0x6;
	s16 =	smulhi.u32 $0x14F8B589, s20;
	s1 =	sshra.s32 s20, $0x1F  }
0x70: {  	s4 =	sadd.s32 s4, s5;
	s21 =	spop (v2sf);
	(v2sf) =	vpush v6, $0x7;
	s31 =	smul.u32 $0x14F8B589, s1  }
0x71: {  	v8 =	vadd.s32 s4, v4;
	s19 =	smulhi.u32 $0x14F8B589, s21;
	s1 =	sshra.s32 s21, $0x1F  }
0x72: {  	v8 =	vsub.s32 v8, v7;
	v9, _, _ =	vpop (xrf0);
	s4 =	smul.u32 $0x14F8B589, s1;
	s22 =	spop (v2sf)  }
0x73: {  	v8 =	vadd.s32 v9, v8;
	s25 =	smulhi.u32 $0x14F8B589, s22;
	s1 =	sshra.s32 s22, $0x1F  }
0x74: {  	(v2sf) =	vpush v8, $0xD;
	s26 =	spop (v2sf);
	s21 =	smul.u32 $0x14F8B589, s1  }
0x75: {  	[dreg:$0x1e] =	wrdreg s5;
	s28 =	smulhi.u32 $0x14F8B589, s26;
	s1 =	sshra.s32 s26, $0x1F  }
0x76: {  	(v2sf) =	vpush v8, $0xC;
	s29 =	spop (v2sf);
	s6 =	smul.u32 $0x14F8B589, s1  }
0x77: {  	[smem:$0x7EC] =	sst s25;
	s30 =	smulhi.u32 $0x14F8B589, s29;
	s1 =	sshra.s32 s29, $0x1F  }
0x78: {  	(v2sf) =	vpush v8, $0xE;
	s11 =	spop (v2sf);
	s1 =	smul.u32 $0x14F8B589, s1  }
0x79: {  	s14 =	smulhi.u32 $0x14F8B589, s11;
	s17 =	spop (v2sf)  }
0x7a: {  	(v2sf) =	vpush v8, $0xF;
	[smem:$0x7ED] =	sst s28;
	s18 =	smulhi.u32 $0x14F8B589, s17  }
0x7b: {  	s20 =	spop (v2sf);
	[smem:$0x7EF] =	sst s1  }
0x7c: {  	[smem:$0x7F0] =	sst s14;
	s1 =	sshra.s32 s11, $0x1F;
	s14 =	smulhi.u32 $0x14F8B589, s20  }
0x7d: {  	[smem:$0x7EE] =	sst s30;
	s5 =	sshra.s32 s17, $0x1F;
	s11 =	smul.u32 $0x14F8B589, s1  }
0x7e: {  	s22 =	spop (v2sf);
	s1 =	smul.u32 $0x14F8B589, s5;
	s5 =	sshra.s32 s20, $0x1F  }
0x7f: {  	(v2sf) =	vpush v8, $0x9;
	s26 =	spop (v2sf);
	s5 =	smul.u32 $0x14F8B589, s5  }
0x80: {  	[smem:$0x7F1] =	sst s18;
	s28 =	smulhi.u32 $0x14F8B589, s26  }
0x81: {  	s25 =	smulhi.u32 $0x14F8B589, s22;
	[smem:$0x7F3] =	sst s5;
	s5 =	sshra.s32 s22, $0x1F  }
0x82: {  	(v2sf) =	vpush v8, $0x8;
	[smem:$0x7F5] =	sst s28;
	s30 =	smul.u32 $0x14F8B589, s5;
	s5 =	sshra.s32 s26, $0x1F  }
0x83: {  	s28 =	smul.u32 $0x14F8B589, s5;
	s29 =	spop (v2sf)  }
0x84: {  	(v2sf) =	vpush v8, $0xA;
	[smem:$0x7F4] =	sst s25;
	s17 =	smulhi.u32 $0x14F8B589, s29;
	s5 =	sshra.s32 s29, $0x1F  }
0x85: {  	s18 =	spop (v2sf);
	s25 =	smul.u32 $0x14F8B589, s5  }
0x86: {  	[smem:$0x7F2] =	sst s14;
	s29 =	smulhi.u32 $0x14F8B589, s18;
	s5 =	sshra.s32 s18, $0x1F  }
0x87: {  	s20 =	spop (v2sf);
	s26 =	smul.u32 $0x14F8B589, s5  }
0x88: {  	[smem:$0x7F6] =	sst s17;
	s22 =	smulhi.u32 $0x14F8B589, s20;
	s5 =	sshra.s32 s20, $0x1F  }
0x89: {  	s14 =	sadd.s32 s3, s8;
	s3 =	spop (v2sf);
	s18 =	smul.u32 $0x14F8B589, s5  }
0x8a: {  	s20 =	smulhi.u32 $0x14F8B589, s3;
	s5 =	sshra.s32 s3, $0x1F;
	s3 =	sld [smem:$0x7ED]  }
0x8b: {  	s17 =	sadd.s32 s12, s7;
	s12 =	sadd.s32 s2, s10;
	s10 =	sld [smem:$0x7EC]  }
0x8c: {  	s24 =	sadd.s32 s24, s0;
	(v2sf) =	vpush v8, $0xB;
	s2 =	sld [smem:$0x7F3]  }
0x8d: {  	s23 =	sadd.s32 s23, s9;
	s6 =	sadd.s32 s6, s3;
	s3 =	sld [smem:$0x7F1]  }
0x8e: {  	s13 =	sadd.s32 s15, s13;
	s7 =	spop (v2sf);
	s15 =	smul.u32 $0x14F8B589, s5  }
0x8f: {  	s31 =	sadd.s32 s31, s16;
	(v2sf) =	vpush v8, $0x0;
	s16 =	smulhi.u32 $0x14F8B589, s7;
	s5 =	sld [smem:$0x7EE]  }
0x90: {  	s0 =	sshra.s32 s7, $0x1F;
	s7 =	sld [smem:$0x7EF];
	s1 =	sadd.s32 s1, s3  }
0x91: {  	s19 =	sadd.s32 s4, s19;
	s8 =	spop (v2sf);
	[smem:$0x7F7] =	sst s1  }
0x92: {  	s9 =	smul.u32 $0x14F8B589, s0;
	s21 =	sadd.s32 s21, s10;
	s1 =	sld [smem:$0x7F2]  }
0x93: {  	(v2sf) =	vpush v8, $0x1;
	s10 =	smulhi.u32 $0x14F8B589, s8;
	s0 =	sshra.s32 s8, $0x1F;
	s4 =	spop (v2sf)  }
0x94: {  	(v2sf) =	vpush v8, $0x2;
	s8 =	smul.u32 $0x14F8B589, s0;
	s0 =	sshra.s32 s4, $0x1F;
	s5 =	sadd.s32 s7, s5  }
0x95: {  	(v2sf) =	vpush v8, $0x3;
	s7 =	smulhi.u32 $0x14F8B589, s4;
	s4 =	sld [smem:$0x7F0];
	s1 =	sadd.s32 s2, s1  }
0x96: {  	[smem:$0x7F8] =	sst s1  }
0x97: {  	s1 =	sld [smem:$0x7F4];
	_ =	sdelay $0x2  }
0x98: {  	s11 =	sadd.s32 s11, s4;
	s4 =	smul.u32 $0x14F8B589, s0;
	s1 =	sadd.s32 s30, s1  }
0x99: {  	s26 =	sadd.s32 s26, s29;
	s0 =	spop (v2sf);
	[smem:$0x7F9] =	sst s1  }
0x9a: {  	s3 =	smulhi.u32 $0x14F8B589, s0;
	s0 =	sshra.s32 s0, $0x1F;
	s1 =	sld [smem:$0x7F5]  }
0x9b: {  	[smem:$0x7FB] =	sst s26;
	s18 =	sadd.s32 s18, s22;
	s2 =	smul.u32 $0x14F8B589, s0  }
0x9c: {  	[smem:$0x7FD] =	sst s18;
	s7 =	sadd.s32 s4, s7;
	s0 =	spop (v2sf)  }
0x9d: {  	s4 =	sadd.s32 s2, s3;
	s2 =	sshra.s32 s17, $0xD;
	s1 =	sadd.s32 s28, s1  }
0x9e: {  	s30 =	smulhi.u32 $0x14F8B589, s0;
	s0 =	sshra.s32 s0, $0x1F;
	[smem:$0x7FA] =	sst s1  }
0x9f: {  	s3 =	sshrl.u32 s14, $0x1F;
	s1 =	smul.u32 $0x14F8B589, s0;
	s0 =	sld [smem:$0x7F6]  }
0xa0: {  	(v2sf) =	vpush v8, $0x4;
	s14 =	sshra.s32 s14, $0xD;
	v11 =	vmov s3;
	s3 =	sshrl.u32 s19, $0x1F;
	s28 =	spop (v2sf)  }
0xa1: {  	s19 =	sshra.s32 s19, $0xD;
	v13 =	vmov s14;
	s14 =	sshra.s32 s6, $0x1F;
	s29 =	spop (v2sf)  }
0xa2: {  	s18 =	smulhi.u32 $0x14F8B589, s29;
	s22 =	spop (v2sf);
	s0 =	sadd.s32 s25, s0  }
0xa3: {  	(v2sf) =	vpush v8, $0x5;
	s25 =	smulhi.u32 $0x14F8B589, s28;
	s28 =	sshra.s32 s28, $0x1F;
	[smem:$0x7FC] =	sst s0  }
0xa4: {  	(v2sf) =	vpush v8, $0x6;
	s26 =	smul.u32 $0x14F8B589, s28;
	s0 =	sshra.s32 s29, $0x1F;
	s29 =	sadd.s32 s15, s20  }
0xa5: {  	(v2sf) =	vpush v8, $0x7;
	s15 =	sadd.s32 s9, s16;
	s16 =	smulhi.u32 $0x14F8B589, s22;
	s28 =	sshra.s32 s22, $0x1F  }
0xa6: {  	s22 =	sadd.s32 s8, s10;
	s10 =	sadd.s32 s1, s30;
	s30 =	sshrl.u32 s21, $0x1F  }
0xa7: {  	s1 =	sshrl.u32 s13, $0x1F;
	s13 =	sshra.s32 s13, $0xD;
	s0 =	smul.u32 $0x14F8B589, s0  }
0xa8: {  	s20 =	smul.u32 $0x14F8B589, s28;
	v10 =	vmov s30;
	s30 =	sshrl.u32 s5, $0x1F;
	s9 =	sadd.s32 s26, s25  }
0xa9: {  	s26 =	sshrl.u32 s6, $0x1F;
	s25 =	sshrl.u32 s31, $0x1F;
	s28 =	sadd.s32 s0, s18  }
0xaa: {  	v10 =	vnsel vm3, $0x0, v10;
	s8 =	sadd.s32 s20, s16;
	s0 =	sshrl.u32 s17, $0x1F;
	s16 =	sshrl.u32 s24, $0x1F  }
0xab: {  	s17 =	sshra.s32 s24, $0xD;
	v10 =	vsel vm0, s26, v10;
	s24 =	sshra.s32 s31, $0xD;
	s31 =	sld [smem:$0x7F7]  }
0xac: {  	v13 =	vsel vm0, s2, v13;
	v12 =	vmov s1;
	s1 =	sshrl.u32 s11, $0x1F;
	s18 =	sshrl.u32 s23, $0x1F;
	s20 =	sshra.s32 s23, $0xD;
	v10 =	vsel vm1, s30, v10  }
0xad: {  	v15 =	vmov s13;
	s23 =	sshrl.u32 s12, $0x1F;
	s12 =	sshra.s32 s12, $0xD;
	v13 =	vsel vm1, s17, v13;
	v10 =	vsel vm2, s1, v10;
	s1 =	sld [smem:$0x7F8]  }
0xae: {  	v11 =	vsel vm0, s0, v11;
	v12 =	vsel vm0, s23, v12;
	s23 =	sshra.s32 s21, $0xD;
	v13 =	vsel vm2, s20, v13;
	s20 =	sld [smem:$0x7FB];
	s26 =	sshrl.u32 s31, $0x1F  }
0xaf: {  	v15 =	vsel vm0, s12, v15;
	v11 =	vsel vm1, s16, v11;
	s16 =	sshra.s32 s21, $0x1F;
	s21 =	spop (v2sf);
	v10 =	vsel vm4, s26, v10;
	s26 =	sld [smem:$0x7FA]  }
0xb0: {  	v15 =	vsel vm1, s24, v15;
	s24 =	sshrl.u32 s22, $0x1F;
	s22 =	sshra.s32 s22, $0xD;
	s30 =	sshrl.u32 s1, $0x1F  }
0xb1: {  	v11 =	vsel vm2, s18, v11;
	s18 =	sshra.s32 s6, $0xD;
	s12 =	sshra.s32 s31, $0x1F;
	v10 =	vsel vm5, s30, v10;
	s30 =	sld [smem:$0x7F9]  }
0xb2: {  	v12 =	vsel vm1, s25, v12;
	(v2sf) =	vpush v9, $0xF;
	v19 =	vmov s22;
	s22 =	sshra.s32 s28, $0xD;
	s25 =	sshra.s32 s26, $0x1F;
	s6 =	spop (v2sf)  }
0xb3: {  	v12 =	vsel vm2, s3, v12;
	v15 =	vsel vm2, s19, v15;
	s13 =	sshrl.u32 s20, $0x1F;
	v14 =	vmov s25;
	s25 =	sshra.s32 s5, $0x1F;
	s0 =	spop (v2sf)  }
0xb4: {  	v17 =	vmov s24;
	v11 =	vcombine.low v12, v11;
	s3 =	sshrl.u32 s30, $0x1F;
	v14 =	vsel vm3, s23, v14;
	s23 =	sshra.s32 s5, $0xD;
	s17 =	spop (v2sf)  }
0xb5: {  	v55 =	vcombine.low v15, v13;
	s5 =	sshra.s32 s11, $0xD;
	v10 =	vsel vm6, s3, v10;
	s3 =	sshrl.u32 s26, $0x1F;
	v14 =	vsel vm9, s16, v14;
	s2 =	sshra.s32 s17, $0x1F  }
0xb6: {  	v16 =	vmov s13;
	v10 =	vsel vm7, s3, v10;
	s3 =	sshra.s32 s11, $0x1F;
	v14 =	vsel vm0, s18, v14;
	s11 =	smulhi.u32 $0x14F8B589, s17;
	s17 =	sld [smem:$0x7FC]  }
0xb7: {  	s13 =	sshrl.u32 s15, $0x1F;
	v11 =	vperm.xlane v11, v2;
	s16 =	sshra.s32 s20, $0xD;
	v14 =	vsel vm10, s14, v14;
	s14 =	smul.u32 $0x14F8B589, s2;
	v10 =	vperm.xlane v10, v3  }
0xb8: {  	v17 =	vsel vm0, s13, v17;
	s13 =	sshra.s32 s29, $0xD;
	v18 =	vmov s16;
	s16 =	sshra.s32 s10, $0x1F;
	s2 =	sshra.s32 s31, $0xD;
	v14 =	vsel vm1, s23, v14  }
0xb9: {  	v12 =	vperm.xlane v55, v2;
	s18 =	sshrl.u32 s17, $0x1F;
	v14 =	vsel vm11, s25, v14;
	s11 =	sadd.s32 s14, s11;
	s20 =	sshra.s32 s17, $0xD;
	v10 =	vsel vm8, v10, v11  }
0xba: {  	s25 =	sshra.s32 s15, $0xD;
	v16 =	vsel vm0, s18, v16;
	s18 =	sld [smem:$0x7FD];
	v18 =	vsel vm0, s20, v18;
	s14 =	sshra.s32 s11, $0x1F;
	v14 =	vsel vm2, s5, v14  }
0xbb: {  	s23 =	sshrl.u32 s29, $0x1F;
	s15 =	sshra.s32 s10, $0xD;
	s10 =	sshrl.u32 s10, $0x1F;
	v19 =	vsel vm0, s25, v19;
	v20 =	vmov s14;
	v14 =	vsel vm12, s3, v14  }
0xbc: {  	s17 =	sshra.s32 s9, $0xD;
	s20 =	smulhi.u32 $0x14F8B589, s21;
	s21 =	sshra.s32 s21, $0x1F;
	v59 =	vmov s10;
	v56 =	vsel vm3, s15, v20;
	v14 =	vsel vm4, s2, v14  }
0xbd: {  	s25 =	smulhi.u32 $0x14F8B589, s6;
	v9 =	vnsel vm3, $0x0, v59;
	s19 =	sshrl.u32 s18, $0x1F;
	s24 =	sshra.s32 s18, $0xD;
	v13 =	vsel vm9, s16, v56;
	v14 =	vsel vm13, s12, v14  }
0xbe: {  	s6 =	sshra.s32 s6, $0x1F;
	s18 =	sshrl.u32 s9, $0x1F;
	v16 =	vsel vm1, s19, v16;
	s19 =	sshrl.u32 s7, $0x1F;
	v18 =	vsel vm1, s24, v18;
	v13 =	vsel vm0, s17, v13  }
0xbf: {  	s14 =	sshra.s32 s1, $0x1F;
	s9 =	sshra.s32 s9, $0x1F;
	s7 =	sshra.s32 s7, $0xD;
	v9 =	vsel vm0, s18, v9;
	v16 =	vsel vm2, s23, v16;
	v17 =	vsel vm1, s19, v17  }
0xc0: {  	s15 =	smul.u32 $0x14F8B589, s21;
	s23 =	sshrl.u32 s4, $0x1F;
	v18 =	vsel vm2, s13, v18;
	v19 =	vsel vm1, s7, v19;
	s4 =	sshra.s32 s4, $0xD;
	v13 =	vsel vm10, s9, v13  }
0xc1: {  	s31 =	smul.u32 $0x14F8B589, s6;
	s7 =	sshra.s32 s1, $0xD;
	s19 =	sshrl.u32 s28, $0x1F;
	v17 =	vsel vm2, s23, v17;
	v58 =	vsel vm2, s4, v19;
	v13 =	vsel vm1, s22, v13  }
0xc2: {  	s6 =	sshra.s32 s8, $0x1F;
	s24 =	sshra.s32 s28, $0x1F;
	s29 =	sadd.s32 s15, s20;
	v14 =	vsel vm5, s7, v14;
	v9 =	vsel vm1, s19, v9;
	v57 =	vcombine.low v17, v16  }
0xc3: {  	s28 =	sshra.s32 s8, $0xD;
	s4 =	sshra.s32 s30, $0xD;
	s23 =	sshrl.u32 s8, $0x1F;
	v16 =	vcombine.low v58, v18;
	v13 =	vsel vm11, s24, v13;
	v14 =	vsel vm14, s14, v14  }
0xc4: {  	s2 =	sshrl.u32 s29, $0x1F;
	s8 =	smulhi.u32 $0x14F8B589, s0;
	s0 =	sshra.s32 s0, $0x1F;
	v9 =	vsel vm2, s23, v9;
	v13 =	vsel vm2, s28, v13;
	v14 =	vsel vm6, s4, v14  }
0xc5: {  	s16 =	sshra.s32 s30, $0x1F;
	s12 =	sshra.s32 s29, $0xD;
	s0 =	smul.u32 $0x14F8B589, s0;
	v9 =	vsel vm4, s2, v9;
	vm2 =	vmmov vm1;
	v13 =	vsel vm12, s6, v13  }
0xc6: {  	s21 =	sshra.s32 s26, $0xD;
	s3 =	sadd.s32 s31, s25;
	s15 =	sshra.s32 s29, $0x1F;
	vm1 =	vmmov vm0;
	v14 =	vsel vm15, s16, v14;
	v13 =	vsel vm4, s12, v13  }
0xc7: {  	s17 =	sshra.s32 s3, $0xD;
	s18 =	sshrl.u32 s3, $0x1F;
	vm0 =	vmmov vm8;
	s0 =	sadd.s32 s0, s8;
	v14 =	vsel vm7, s21, v14;
	v13 =	vsel vm13, s15, v13  }
0xc8: {  	s20 =	sshra.s32 s3, $0x1F;
	v9 =	vsel vm5, s18, v9;
	s22 =	sshrl.u32 s0, $0x1F;
	v14 =	vperm.xlane v14, v3;
	v13 =	vsel vm5, s17, v13  }
0xc9: {  	s24 =	sshrl.u32 s11, $0x1F;
	v15 =	vperm.xlane v57, v2;
	s23 =	sshra.s32 s0, $0xD;
	v9 =	vsel vm6, s22, v9;
	v13 =	vsel vm14, s20, v13  }
0xca: {  	s0 =	sshra.s32 s0, $0x1F;
	v9 =	vsel vm7, s24, v9;
	v60 =	vsel vm8, v14, v12;
	v13 =	vsel vm6, s23, v13  }
0xcb: {  	s25 =	sshra.s32 s11, $0xD;
	v9 =	vperm.xlane v9, v3;
	v10 =	vadd.s32 v10, v60;
	v13 =	vsel vm15, s0, v13  }
0xcc: {  	v16 =	vperm.xlane v16, v2;
	v10 =	vmul.u32 $0x186A0, v10;
	v13 =	vsel vm7, s25, v13  }
0xcd: {  	v9 =	vsel vm8, v9, v15;
	vm15 =	vmmov vm13;
	v13 =	vperm.xlane v13, v3  }
0xce: {  	vm13 =	vmmov vm11;
	vm11 =	vmmov vm9;
	v6 =	vsub.s32 v6, v10  }
0xcf: {  	vm9 =	vlt.s32 v6, $0x0;
	v62 =	vadd.s32 $0x186A0, v6;
	v61 =	vsel vm8, v13, v16  }
0xd0: {  	vm8 =	vmmov vm7;
	vm7 =	vmmov vm6;
	v9 =	vadd.s32 v9, v61  }
0xd1: {  	vm6 =	vmmov vm5;
	vm5 =	vmmov vm4;
	v9 =	vmul.u32 $0x186A0, v9  }
0xd2: {  	vm4 =	vmmov vm3;
	vm3 =	vmmov vm14;
	vm14 =	vmmov vm12  }
0xd3: {  	vm12 =	vmmov vm10;
	v6 =	vsel vm9, v62, v6;
	v8 =	vsub.s32 v8, v9  }
0xd4: {  	s29 =	rddreg [dreg:$0x1c];
	vm9 =	vgt.s32 v7, $0x0;
	vm10 =	vlt.s32 v8, $0x0;
	v63 =	vadd.s32 $0x186A0, v8  }
0xd5: {  	p2 =	sne.s32 s29, $0x1C0;
	v8 =	vsel vm10, v63, v8;
	vm10 =	vmmov vm12;
	vm12 =	vmmov vm14  }
.Ltmp5:
0xd6: {  	s26 =	rddreg [dreg:$0x1f];
	vm14 =	vmmov vm3;
	vm3 =	vmmov vm4;
	vm4 =	vmmov vm5;
	(pc) =	sbr.rel @p2 .LBB3_6-.Ltmp5, $4  }
0xd7: {  	s31 =	rddreg [dreg:$0x1c];
	vm5 =	vmmov vm6;
	vm6 =	vmmov vm7;
	vm7 =	vmmov vm8  }
0xd8: {  	s19 =	rddreg [dreg:$0x1e];
	vm8 =	vmmov vm0;
	vm0 =	vmmov vm1;
	vm1 =	vmmov vm2  }
0xd9: {  	s30 =	rddreg [dreg:$0x1d];
	s28 =	spop (v2sf);
	[tilespmem:s26+$0x1080] =	vst v6;
	vm2 =	vcmask $0x1B18;
	v7 =	vsel vm9, v8, v6;
	vm9 =	vmmov vm11  }
0xda: {  	s1 =	sadd.s32 $0x10, s30;
	s5 =	sadd.s32 s19, s28;
	s0 =	sadd.s32 $0x40, s31;
	vm11 =	vmmov vm13;
	vm13 =	vmmov vm15;
	vm15 =	vcmask $0x3734;
	[tilespmem:s26+$0x1000] =	vst v7  }
0xdb: {  	s0 =	simm.s32 $0x0  }
0xdc: {  	s1 =	rddreg [dreg:$0x14];
	s2 =	simm.s32 $0x1100;
	s5 =	simm.s32 $0x3  }
0xdd: {  	[tilespmem:s2], [sflag:$0x3] =	stream.linear.gather [hbm4b:s1+s0], $0x4000, $0x38;
	[tilespmem:$0x9580] =	vst v63  }
0xde: {  	_ =	swait.ge [sflag:s5], $0x4000  }
0xdf: {  	[sflag:s5] =	ssyncset.done $0x0  }
0xe0: {  	s3 =	simm.s32 $0x5100;
	s17 =	rddreg [dreg:$0x15];
	[sflag:s5] =	ssyncadd.s32 $0xFFFFC000  }
0xe1: {  	[tilespmem:s3], [sflag:$0x3] =	stream.linear.gather [hbm4b:s17+s0], $0x80, $0x38;
	[tilespmem:$0x9580] =	vst v63  }
0xe2: {  	_ =	swait.ge [sflag:s5], $0x80  }
0xe3: {  	[sflag:s5] =	ssyncset.done $0x0  }
0xe4: {  	s4 =	simm.s32 $0x5180;
	s18 =	rddreg [dreg:$0x16];
	[sflag:s5] =	ssyncadd.s32 $0xFFFFFF80  }
0xe5: {  	[tilespmem:s4], [sflag:$0x3] =	stream.linear.gather [hbm4b:s18+s0], $0x80, $0x38;
	[tilespmem:$0x9580] =	vst v63  }
0xe6: {  	_ =	swait.ge [sflag:s5], $0x80  }
0xe7: {  	[sflag:s5] =	ssyncset.done $0x0  }
0xe8: {  	s6 =	simm.s32 $0x5200;
	s19 =	rddreg [dreg:$0x17];
	[sflag:s5] =	ssyncadd.s32 $0xFFFFFF80  }
0xe9: {  	[tilespmem:s6], [sflag:$0x3] =	stream.linear.gather [hbm4b:s19+s0], $0x80, $0x38;
	[tilespmem:$0x9580] =	vst v63  }
0xea: {  	_ =	swait.ge [sflag:s5], $0x80  }
0xeb: {  	[sflag:s5] =	ssyncset.done $0x0  }
0xec: {  	[sflag:s5] =	ssyncadd.s32 $0xFFFFFF80  }
0xed: {  	s7 =	simm.s32 $0x80;
	s8 =	simm.s32 $0x1000;
	s20 =	rddreg [dreg:$0x9]  }
0xee: {  	[hbm4b:s20+s7] =	stream.indirect.scatter [tilespmem:s2], [sflag:$0x1], $0x80, s8, s7, $0xb8;
	[tilespmem:$0x9580] =	vst v63  }
0xef: {  	s21 =	rddreg [dreg:$0xa]  }
0xf0: {  	[hbm4b:s21+s7] =	stream.indirect.scatter [tilespmem:s3], [sflag:$0x1], $0x1, s8, s7, $0xb8;
	[tilespmem:$0x9580] =	vst v63  }
0xf1: {  	s22 =	rddreg [dreg:$0xb]  }
0xf2: {  	[hbm4b:s22+s7] =	stream.indirect.scatter [tilespmem:s4], [sflag:$0x1], $0x1, s8, s7, $0xb8;
	[tilespmem:$0x9580] =	vst v63  }
0xf3: {  	s23 =	rddreg [dreg:$0xc]  }
0xf4: {  	[hbm4b:s23+s7] =	stream.indirect.scatter [tilespmem:s6], [sflag:$0x1], $0x1, s8, s7, $0xb8;
	[tilespmem:$0x9580] =	vst v63  }
0xf5: {  	s25 =	simm.s32 $0x1080;
	s26 =	simm.s32 $0x5280;
	s24 =	rddreg [dreg:$0x5]  }
0xf6: {  	[tilespmem:s26], [sflag:$0x2] =	stream.indirect.gather [hbm4b:s24+s7], $0x80, s25, s7, $0xb8;
	[tilespmem:$0x9580] =	vst v63  }
0xf7: {  	s9 =	simm.s32 $0x9280;
	s28 =	rddreg [dreg:$0x6]  }
0xf8: {  	[tilespmem:s9], [sflag:$0x2] =	stream.indirect.gather [hbm4b:s28+s7], $0x1, s25, s7, $0xb8;
	[tilespmem:$0x9580] =	vst v63  }
0xf9: {  	s10 =	simm.s32 $0x9300;
	s29 =	rddreg [dreg:$0x7]  }
0xfa: {  	[tilespmem:s10], [sflag:$0x2] =	stream.indirect.gather [hbm4b:s29+s7], $0x1, s25, s7, $0xb8;
	[tilespmem:$0x9580] =	vst v63  }
0xfb: {  	s11 =	simm.s32 $0x9380;
	s31 =	simm.s32 $0x1;
	s30 =	rddreg [dreg:$0x8]  }
0xfc: {  	[tilespmem:s11], [sflag:$0x2] =	stream.indirect.gather [hbm4b:s30+s7], $0x1, s25, s7, $0xb8;
	[tilespmem:$0x9580] =	vst v63  }
0xfd: {  	_ =	swait.ge [sflag:s31], $0x4000  }
0xfe: {  	[sflag:s31] =	ssyncset.done $0x0  }
0xff: {  	[sflag:s31] =	ssyncadd.s32 $0xFFFFC000  }
0x100: {  	_ =	swait.ge [sflag:s31], $0x80  }
0x101: {  	[sflag:s31] =	ssyncset.done $0x0  }
0x102: {  	[sflag:s31] =	ssyncadd.s32 $0xFFFFFF80  }
0x103: {  	_ =	swait.ge [sflag:s31], $0x80  }
0x104: {  	[sflag:s31] =	ssyncset.done $0x0  }
0x105: {  	[sflag:s31] =	ssyncadd.s32 $0xFFFFFF80  }
0x106: {  	_ =	swait.ge [sflag:s31], $0x80  }
0x107: {  	[sflag:s31] =	ssyncset.done $0x0  }
0x108: {  	s12 =	simm.s32 $0x2;
	[sflag:s31] =	ssyncadd.s32 $0xFFFFFF80  }
0x109: {  	_ =	swait.ge [sflag:s12], $0x4000  }
0x10a: {  	[sflag:s12] =	ssyncset.done $0x0  }
0x10b: {  	[sflag:s12] =	ssyncadd.s32 $0xFFFFC000  }
0x10c: {  	_ =	swait.ge [sflag:s12], $0x80  }
0x10d: {  	[sflag:s12] =	ssyncset.done $0x0  }
0x10e: {  	[sflag:s12] =	ssyncadd.s32 $0xFFFFFF80  }
0x10f: {  	_ =	swait.ge [sflag:s12], $0x80  }
0x110: {  	[sflag:s12] =	ssyncset.done $0x0  }
0x111: {  	[sflag:s12] =	ssyncadd.s32 $0xFFFFFF80  }
0x112: {  	_ =	swait.ge [sflag:s12], $0x80  }
0x113: {  	[sflag:s12] =	ssyncset.done $0x0  }
0x114: {  	[sflag:s12] =	ssyncadd.s32 $0xFFFFFF80  }
0x115: {  	[hbm4b:s20+s7] =	stream.indirect.scatter [tilespmem:s26], [sflag:$0x1], $0x80, s25, s7, $0xb8;
	[tilespmem:$0x9580] =	vst v63  }
0x116: {  	_ = 	snop  }
0x117: {  	[hbm4b:s21+s7] =	stream.indirect.scatter [tilespmem:s9], [sflag:$0x1], $0x1, s25, s7, $0xb8;
	[tilespmem:$0x9580] =	vst v63  }
0x118: {  	_ = 	snop  }
0x119: {  	[hbm4b:s22+s7] =	stream.indirect.scatter [tilespmem:s10], [sflag:$0x1], $0x1, s25, s7, $0xb8;
	[tilespmem:$0x9580] =	vst v63  }
0x11a: {  	_ = 	snop  }
0x11b: {  	[hbm4b:s23+s7] =	stream.indirect.scatter [tilespmem:s11], [sflag:$0x1], $0x1, s25, s7, $0xb8;
	[tilespmem:$0x9580] =	vst v63  }
0x11c: {  	_ =	swait.ge [sflag:s31], $0x4000  }
0x11d: {  	[sflag:s31] =	ssyncset.done $0x0  }
0x11e: {  	[sflag:s31] =	ssyncadd.s32 $0xFFFFC000  }
0x11f: {  	_ =	swait.ge [sflag:s31], $0x80  }
0x120: {  	[sflag:s31] =	ssyncset.done $0x0  }
0x121: {  	[sflag:s31] =	ssyncadd.s32 $0xFFFFFF80  }
0x122: {  	_ =	swait.ge [sflag:s31], $0x80  }
.Ltmp6:
0x123: {  	[sflag:s31] =	ssyncset.done $0x0;
	(pc) =	sbr.rel @p1 .LBB3_11-.Ltmp6, $4  }
0x124: {  	[sflag:s31] =	ssyncadd.s32 $0xFFFFFF80  }
0x125: {  	_ =	swait.ge [sflag:s31], $0x80  }
0x126: {  	[sflag:s31] =	ssyncset.done $0x0  }
0x127: {  	s9 =	simm.s32 $0x0;
	s1 =	rddreg [dreg:$0x1b];
	[sflag:s31] =	ssyncadd.s32 $0xFFFFFF80  }
0x128: {  	s1 =	simm.s32 $0x0  }
0x129: {  	v5 =	vimm.s32 $0x0;
	s0 =	simm.s32 $0x40;
	v6 =	vld [tilespmem:s1+$0x0]  }
.LBB3_9:
0x12a: {  	p2 =	sne.s32 s0, $0x3FC0  }
.Ltmp7:
0x12b: {  	_ = 	snop;
	(pc) =	sbr.rel @p2 .LBB3_9-.Ltmp7, $3  }
0x12c: {  	_ =	sdelay $0x1  }
0x12d: {  	s1 =	sshra.s32 s0, $0x2;
	s0 =	sadd.s32 $0x40, s0;
	v5 =	vadd.s32 v5, v6  }
0x12e: {  	v6 =	vld [tilespmem:s1+$0x0]  }
0x12f: {  	_ =	sdelay $0x3  }
0x130: {  	v5 =	vadd.s32 v5, v6  }
0x131: {  	v4 =	vxor.u32 $0x80000000, v4;
	(xrf0) =	vadd.scan.msk.s32 $0xffff, v5  }
0x132: {  	(xrf0) =	vmax.scan.msk.u32 $0xffff, v4;
	_ =	sdelay $0x4  }
0x133: {  	v4, _, _ =	vpop (xrf0)  }
0x134: {  	(v2sf) =	vpush v4, $0xF;
	v4, _, _ =	vpop (xrf0)  }
0x135: {  	(v2sf) =	vpush v4, $0xF  }
0x136: {  	v4 =	vld [tilespmem:$0x9480];
	_ =	sdelay $0x4  }
0x137: {  	v4 =	vxor.u32 $0x80000000, v4  }
0x138: {  	(xrf0) =	vmax.scan.msk.u32 $0xffff, v4;
	_ =	sdelay $0x5  }
0x139: {  	v4, _, _ =	vpop (xrf0)  }
0x13a: {  	s0 =	spop (v2sf);
	(v2sf) =	vpush v4, $0xF  }
0x13b: {  	s1 =	spop (v2sf)  }
0x13c: {  	s1 =	sadd.s32 s1, s0  }
0x13d: {  	s1 =	sadd.s32 $0x80000000, s1  }
0x13e: {  	s2 =	smulhi.u32 $0x14F8B589, s1;
	s3 =	sshra.s32 s1, $0x1F  }
0x13f: {  	s3 =	smul.u32 $0x14F8B589, s3;
	_ =	sdelay $0x1  }
0x140: {  	s2 =	sadd.s32 s3, s2  }
0x141: {  	s3 =	sshrl.u32 s2, $0x1F;
	s2 =	sshra.s32 s2, $0xD  }
0x142: {  	s2 =	sadd.s32 s3, s2  }
0x143: {  	s2 =	smul.u32 $0x186A0, s2;
	_ =	sdelay $0x1  }
0x144: {  	s1 =	ssub.s32 s1, s2  }
0x145: {  	p2 =	slt.s32 s1, $0x0;
	s2 =	sadd.s32 $0x186A0, s1  }
0x146: {  	s1 =	smov.u32 @p2 s2  }
0x147: {  	v4 =	vmov s1;
	s28 =	spop (v2sf)  }
0x148: {  	s29 =	rddreg [dreg:$0xd];
	s30 =	simm.s32 $0x9500;
	[tilespmem:$0x9500] =	vst v4;
	s0 =	sadd.s32 s28, s0  }
0x149: {  	[hbm4b:s29+s9] =	stream.linear.scatter [tilespmem:s30], [sflag:$0x3], $0x1, $0x38;
	[tilespmem:$0x9580] =	vst v63  }
0x14a: {  	s0 =	sadd.s32 $0x80000000, s0  }
0x14b: {  	_ =	swait.ge [sflag:s5], $0x1;
	p2 =	slt.s32 s0, $0x186A0  }
0x14c: {  	[sflag:s5] =	ssyncset.done $0x0;
	s0 =	simm.s32 @!p2 $0x186A0  }
0x14d: {  	[sflag:s5] =	ssyncadd.s32 $0xFFFFFFFF;
	v4 =	vmov s0  }
.Ltmp8:
0x14e: {  	s31 =	rddreg [dreg:$0x10];
	[tilespmem:$0x9500] =	vst v4;
	(pc) =	sbr.rel .LBB3_11-.Ltmp8, $4  }
0x14f: {  	[hbm4b:s31+s9] =	stream.linear.scatter [tilespmem:s30], [sflag:$0x3], $0x1, $0x38;
	[tilespmem:$0x9580] =	vst v63  }
0x150: {  	_ =	swait.ge [sflag:s5], $0x1  }
0x151: {  	[sflag:s5] =	ssyncset.done $0x0  }
0x152: {  	s1 =	rddreg [dreg:$0x1b];
	[sflag:s5] =	ssyncadd.s32 $0xFFFFFFFF  }
.LBB3_12:
0x153: {  	_ =	sfence.sel $0x180000  }
0x154: {  	[bflag:$0x0] =	sbarrier.arrive $0xFFFF  }
0x155: {  	_ =	strace $0x90000047  }
0x156: {  	s0 =	stileid.u32;
	[bflag:$0x2] =	sbarrier.arrive $0xFFFF  }
0x157: {  	p0 =	sne.s32 s0, $0x0;
	s0 =	rddreg [dreg:$0xf]  }
0x158: {  	s0 =	sadd.s32 @!p0 $0x100000, s0  }
0x159: {  	[sflag:s0] =	ssyncadd.tile.s32 @!p0 $0x1;
	_ =	shalt  }
.Lfunc_end3:
_tile_overlayer_lowered:
.L_overlay_start_3:
0x15a: {  	(tag) =	ssettag $0x3  }
0x15b: {  	s0 =	rddreg [dreg:$0x0];
	s2 =	stileid.u32  }
0x15c: {  	s1 =	rddreg [dreg:$0x1];
	p0 =	sne.s32 s2, $0x0  }
0x15d: {  	s3 =	rddreg [dreg:$0x2];
	[bflag:$0x3] =	sbarrier.arrive $0xFFFF;
	s2 =	simm.s32 @!p0 $0x1C03  }
0x15e: {  	[timem:s3], [sflag:s2] =	dma.local @!p0 [hbm:s0], s1  }
0x15f: {  	s0 =	simm.s32 @!p0 $0x3  }
0x160: {  	_ =	swait.ge @!p0 [sflag:s0], s1  }
0x161: {  	s1 =	ssub.s32 @!p0 $0x0, s1;
	[sflag:s0] =	ssyncset.done @!p0 $0x0  }
0x162: {  	[sflag:s0] =	ssyncadd.s32 @!p0 s1  }
0x163: {  	[bflag:$0x3] =	sbarrier.arrive $0xFFFF  }
0x164: {  	_ =	shalt  }

</sc_bundles>
